<compile_context>
chip_gen: v7x
topology: tpu7x:2x2x1
jax: 0.10.2.dev20260603
libtpu: 0.0.44.dev20260713+nightly
codegen_flags: <defaults>
</compile_context>

<pallas_src>
import functools
import jax
import jax.numpy as jnp
from jax import lax
from jax.experimental import pallas as pl
from jax.experimental.pallas import tpu as pltpu
from jax.experimental.pallas import tpu_sc as plsc

N = 10000
E = 320000
D = 128
G = 64
NCLS = 2

EC = 128
NCHUNK = E // EC
NC = 2
NS = 16
NW = NC * NS
NPAD = 10240
ROWS_PER_TILE = NPAD // NS



def _fill(ref, val, n16):
    v = jnp.full((16,), val, ref.dtype)

    def body(i, _):
        ref[pl.ds(i * 16, 16)] = v
        return 0

    lax.fori_loop(0, n16, body, 0)


def _fill2d(ref, val, nrows):
    v = jnp.full((16,), val, ref.dtype)

    def body(i, _):
        r = i // 8
        c = (i % 8) * 16
        ref[r, pl.ds(c, 16)] = v
        return 0

    lax.fori_loop(0, nrows * 8, body, 0)


def _deg_body(dst2d, deg_out, deg_sh, idx_v, ones_v, zbuf):
    cid = lax.axis_index("c")
    sid = lax.axis_index("s")
    wid = sid * NC + cid

    _fill(ones_v, 1.0, EC // 16)
    _fill(zbuf, 0.0, 40)
    pltpu.sync_copy(zbuf, deg_sh.at[pl.ds(sid * 640, 640)])
    plsc.subcore_barrier()

    nche = (NCHUNK - wid + NW - 1) // NW

    def body(i, _):
        c = wid + i * NW
        pltpu.sync_copy(dst2d.at[c], idx_v)
        pltpu.sync_copy(ones_v, deg_sh.at[idx_v], add=True)
        return 0

    lax.fori_loop(0, nche, body, 0)
    plsc.subcore_barrier()

    pltpu.sync_copy(deg_sh.at[pl.ds(sid * 640, 640)],
                    deg_out.at[cid, pl.ds(sid * 640, 640)])


def _agg_body(y_hbm, src2d, dst2d, z_out, z_sh, src_v, dst_v, rows_v, sem):
    cid = lax.axis_index("c")
    sid = lax.axis_index("s")
    wid = sid * NC + cid

    _fill2d(rows_v, 0.0, EC)

    def zbody(k, _):
        pltpu.sync_copy(rows_v,
                        z_sh.at[pl.ds(sid * ROWS_PER_TILE + k * EC, EC)])
        return 0

    lax.fori_loop(0, ROWS_PER_TILE // EC, zbody, 0)
    plsc.subcore_barrier()

    nche = (NCHUNK - wid + NW - 1) // NW

    def body(i, _):
        c = wid + i * NW
        pltpu.sync_copy(src2d.at[c], src_v)
        pltpu.sync_copy(dst2d.at[c], dst_v)
        pltpu.async_copy(y_hbm.at[src_v], rows_v, sem).wait()
        pltpu.sync_copy(rows_v, z_sh.at[dst_v], add=True)
        return 0

    lax.fori_loop(0, nche, body, 0)
    plsc.subcore_barrier()

    pltpu.sync_copy(
        z_sh.at[pl.ds(sid * ROWS_PER_TILE, ROWS_PER_TILE)],
        z_out.at[cid, pl.ds(sid * ROWS_PER_TILE, ROWS_PER_TILE)])


def _tc1(x_ref, w1_ref, degp_ref, y1_ref, dinv_ref):
    deg = degp_ref[0, :N] + degp_ref[1, :N] + 1.0
    dinv = lax.rsqrt(deg)
    dinv_ref[...] = dinv
    xw = jnp.dot(x_ref[...], w1_ref[...], preferred_element_type=jnp.float32)
    y1_ref[...] = xw * dinv[:, None]


def _tc2(zp_ref, y1_ref, dinv_ref, b1_ref, w2_ref, y2_ref):
    dinv = dinv_ref[...]
    z = zp_ref[0, :N] + zp_ref[1, :N] + y1_ref[...]
    h = jnp.maximum(z * dinv[:, None] + b1_ref[...][None, :], 0.0)
    y2_ref[...] = jnp.dot(h, w2_ref[...],
                          preferred_element_type=jnp.float32) * dinv[:, None]


def _tc3(zp_ref, y2_ref, dinv_ref, b2_ref, batch_ref, wlin_ref, blin_ref,
         out_ref):
    dinv = dinv_ref[...]
    z = zp_ref[0, :N] + zp_ref[1, :N] + y2_ref[...]
    h = jnp.maximum(z * dinv[:, None] + b2_ref[...][None, :], 0.0)
    gids = lax.broadcasted_iota(jnp.int32, (G, N), 0)
    onehot = (gids == batch_ref[...][None, :]).astype(jnp.float32)
    sums = jnp.dot(onehot, h, preferred_element_type=jnp.float32)
    cnt = jnp.sum(onehot, axis=1, keepdims=True)
    pooled = sums / jnp.maximum(cnt, 1.0)
    out_ref[...] = (jnp.dot(pooled, wlin_ref[...],
                            preferred_element_type=jnp.float32)
                    + blin_ref[...][None, :])


@functools.cache
def _get_sc_kernels():
    mesh = plsc.VectorSubcoreMesh(core_axis_name="c", subcore_axis_name="s",
                                  num_cores=NC, num_subcores=NS)
    deg_kernel = pl.kernel(
        _deg_body,
        out_type=jax.ShapeDtypeStruct((NC, 10240), jnp.float32),
        mesh=mesh,
        scratch_types=[
            pltpu.VMEM_SHARED((10240,), jnp.float32),
            pltpu.VMEM((EC,), jnp.int32),
            pltpu.VMEM((EC,), jnp.float32),
            pltpu.VMEM((640,), jnp.float32),
        ],
    )
    agg_kernel = pl.kernel(
        _agg_body,
        out_type=jax.ShapeDtypeStruct((NC, NPAD, D), jnp.float32),
        mesh=mesh,
        scratch_types=[
            pltpu.VMEM_SHARED((NPAD, D), jnp.float32),
            pltpu.VMEM((EC,), jnp.int32),
            pltpu.VMEM((EC,), jnp.int32),
            pltpu.VMEM((EC, D), jnp.float32),
            pltpu.SemaphoreType.DMA,
        ],
    )
    return deg_kernel, agg_kernel


def kernel(x, edge_index, batch, W1, b1, W2, b2, Wlin, blin):
    _deg_kernel, _agg_kernel = _get_sc_kernels()
    src2d = edge_index[0].reshape(NCHUNK, EC)
    dst2d = edge_index[1].reshape(NCHUNK, EC)

    degp = _deg_kernel(dst2d)

    y1, dinv = pl.pallas_call(
        _tc1,
        out_shape=(jax.ShapeDtypeStruct((N, D), jnp.float32),
                   jax.ShapeDtypeStruct((N,), jnp.float32)),
    )(x, W1, degp)

    zp1 = _agg_kernel(y1, src2d, dst2d)

    y2 = pl.pallas_call(
        _tc2,
        out_shape=jax.ShapeDtypeStruct((N, D), jnp.float32),
    )(zp1, y1, dinv, b1, W2)

    zp2 = _agg_kernel(y2, src2d, dst2d)

    out = pl.pallas_call(
        _tc3,
        out_shape=jax.ShapeDtypeStruct((G, NCLS), jnp.float32),
    )(zp2, y2, dinv, b2, batch, Wlin, blin)

    return out

# --- scband reference (transcript-rebuilt; emitter-appended) ---
"""Pipeline reference for scband-gcn-60129542533 (READ-ONLY COPY).

The authoritative reference and input builder live on the scoring server;
editing this copy changes nothing except your own understanding.
"""

import jax, jax.numpy as jnp
import numpy as np

N = 10000
E = 320000
D_IN = 128
D_HID = 128
N_CLS = 2
NUM_GRAPHS = 64


def gcn_conv(x, src, dst, W, b, num_nodes):
    # PyG-style GCNConv: x' = D^{-1/2} (A + I) D^{-1/2} (x W) + b
    xw = x @ W
    loop = jnp.arange(num_nodes, dtype=src.dtype)
    s = jnp.concatenate([src, loop])
    d = jnp.concatenate([dst, loop])
    deg = jnp.zeros((num_nodes,), x.dtype).at[d].add(1.0)
    dinv = jax.lax.rsqrt(jnp.maximum(deg, 1.0))
    norm = dinv[s] * dinv[d]
    msg = jnp.take(xw, s, axis=0) * norm[:, None]
    out = jnp.zeros((num_nodes, W.shape[1]), x.dtype).at[d].add(msg)
    return out + b


def setup_inputs(seed: int = 0):
    key = jax.random.key(seed)
    ks = jax.random.split(key, 8)
    x = jax.random.normal(ks[0], (N, D_IN), dtype=jnp.float32)
    edge_index = jax.random.randint(ks[1], (2, E), 0, N)
    batch = jnp.sort(jax.random.randint(ks[2], (N,), 0, NUM_GRAPHS))
    W1 = jax.random.normal(ks[3], (D_IN, D_HID), dtype=jnp.float32) * (1.0 / np.sqrt(D_IN))
    b1 = jnp.zeros((D_HID,), jnp.float32)
    W2 = jax.random.normal(ks[4], (D_HID, D_HID), dtype=jnp.float32) * (1.0 / np.sqrt(D_HID))
    b2 = jnp.zeros((D_HID,), jnp.float32)
    Wlin = jax.random.normal(ks[5], (D_HID, N_CLS), dtype=jnp.float32) * (1.0 / np.sqrt(D_HID))
    blin = jnp.zeros((N_CLS,), jnp.float32)
    return {"x": x, "edge_index": edge_index, "batch": batch,
            "W1": W1, "b1": b1, "W2": W2, "b2": b2, "Wlin": Wlin, "blin": blin}


def reference(x, edge_index, batch, W1, b1, W2, b2, Wlin, blin):
    src = edge_index[0]
    dst = edge_index[1]
    h = gcn_conv(x.astype(jnp.float32), src, dst, W1, b1, N)
    h = jax.nn.relu(h)
    # dropout p=0.1 is identity in eval mode (training=False)
    h = gcn_conv(h, src, dst, W2, b2, N)
    h = jax.nn.relu(h)
    sums = jax.ops.segment_sum(h, batch, num_segments=NUM_GRAPHS)
    cnt = jax.ops.segment_sum(jnp.ones((N, 1), h.dtype), batch, num_segments=NUM_GRAPHS)
    pooled = sums / jnp.maximum(cnt, 1.0)
    return pooled @ Wlin + blin

if __name__ == "__main__":
    import jax
    _d = setup_inputs()
    print(jax.jit(kernel)(*tuple(_d.values())))

</pallas_src>

<mosaic_0001>
#map = affine_map<(d0, d1) -> (0, 0)>
#map1 = affine_map<(d0, d1) -> (0, 0, 0)>
module attributes {stable_mosaic.version = 14 : i64} {
  func.func @_agg_body(%arg0: i32, %arg1: i32, %arg2: memref<10000x128xf32, #tpu.memory_space<hbm>>, %arg3: memref<2500x128xi32, #tpu.memory_space<hbm>>, %arg4: memref<2500x128xi32, #tpu.memory_space<hbm>>, %arg5: memref<2x10240x128xf32, #tpu.memory_space<hbm>>, %arg6: memref<10240x128xf32, #tpu.memory_space<vmem_shared>>, %arg7: memref<128xi32, #tpu.memory_space<vmem>>, %arg8: memref<128xi32, #tpu.memory_space<vmem>>, %arg9: memref<128x128xf32, #tpu.memory_space<vmem>>, %arg10: memref<!tpu.dma_semaphore, #tpu.memory_space<semaphore_mem>>) attributes {dimension_semantics = [#tpu.dimension_semantics<core_parallel>, #tpu.dimension_semantics<subcore_parallel>], iteration_bounds = array<i64: 2, 16>, scalar_prefetch = 0 : i64, scratch_operands = 5 : i64, tpu.core_type = #tpu.core_type<sc_vector_subcore>, window_params = [{transform_indices = #map}, {transform_indices = #map}, {transform_indices = #map}, {transform_indices = #map1}]} {
    %mul3A = arith.constant 2 : i32
    %mul3A_0 = arith.muli %arg1, %mul3A : i32
    %add3A = arith.addi %mul3A_0, %arg0 : i32
    %broadcast_in_dim3A = arith.constant 0.000000e+00 : f32
    %broadcast_in_dim3A_1 = vector.broadcast %broadcast_in_dim3A : f32 to vector<16xf32>
    %scan3A = arith.constant 0 : i32
    %scan3A_2 = arith.constant 0 : i32
    %scan3A_3 = arith.constant 1024 : i32
    %scan3A_4 = arith.addi %scan3A_2, %scan3A_3 : i32
    %scan3A_5 = arith.constant 1 : i32
    %scan3A_6 = scf.for %scan3A_53 = %scan3A_2 to %scan3A_4 step %scan3A_5 iter_args(%scan3A_54 = %scan3A) -> (i32)  : i32 {
      %jit3A_55 = arith.constant 8 : i32
      %div3A_56 = arith.divsi %scan3A_53, %jit3A_55 : i32
      %sign3A_57 = arith.constant 0 : i32
      %sign3A_58 = arith.cmpi sgt, %scan3A_53, %sign3A_57 : i32
      %sign3A_59 = arith.extui %sign3A_58 : i1 to i32
      %sign3A_60 = arith.constant 0 : i32
      %sign3A_61 = arith.cmpi slt, %scan3A_53, %sign3A_60 : i32
      %sign3A_62 = arith.extui %sign3A_61 : i1 to i32
      %sign3A_63 = arith.subi %sign3A_59, %sign3A_62 : i32
      %sign3A_64 = arith.constant 0 : i32
      %sign3A_65 = arith.cmpi sgt, %jit3A_55, %sign3A_64 : i32
      %sign3A_66 = arith.extui %sign3A_65 : i1 to i32
      %sign3A_67 = arith.constant 0 : i32
      %sign3A_68 = arith.cmpi slt, %jit3A_55, %sign3A_67 : i32
      %sign3A_69 = arith.extui %sign3A_68 : i1 to i32
      %sign3A_70 = arith.subi %sign3A_66, %sign3A_69 : i32
      %ne3A_71 = arith.cmpi ne, %sign3A_63, %sign3A_70 : i32
      %rem3A_72 = arith.remsi %scan3A_53, %jit3A_55 : i32
      %ne3A_73 = arith.constant 0 : i32
      %ne3A_74 = arith.cmpi ne, %rem3A_72, %ne3A_73 : i32
      %and3A_75 = arith.andi %ne3A_71, %ne3A_74 : i1
      %sub3A_76 = arith.constant 1 : i32
      %sub3A_77 = arith.subi %div3A_56, %sub3A_76 : i32
      %select_n3A_78 = arith.select %and3A_75, %sub3A_77, %div3A_56 : i32
      %jit3A_79 = arith.constant 8 : i32
      %eq3A = arith.constant 0 : i32
      %eq3A_80 = arith.cmpi eq, %jit3A_79, %eq3A : i32
      %jit3A_81 = arith.constant 1 : i32
      %select_n3A_82 = arith.select %eq3A_80, %jit3A_81, %jit3A_79 : i32
      %rem3A_83 = arith.remsi %scan3A_53, %select_n3A_82 : i32
      %ne3A_84 = arith.constant 0 : i32
      %ne3A_85 = arith.cmpi ne, %rem3A_83, %ne3A_84 : i32
      %lt3A = arith.constant 0 : i32
      %lt3A_86 = arith.cmpi slt, %rem3A_83, %lt3A : i32
      %lt3A_87 = arith.constant 0 : i32
      %lt3A_88 = arith.cmpi slt, %select_n3A_82, %lt3A_87 : i32
      %ne3A_89 = arith.xori %lt3A_86, %lt3A_88 : i1
      %and3A_90 = arith.andi %ne3A_89, %ne3A_85 : i1
      %add3A_91 = arith.addi %rem3A_83, %select_n3A_82 : i32
      %select_n3A_92 = arith.select %and3A_90, %add3A_91, %rem3A_83 : i32
      %mul3A_93 = arith.constant 16 : i32
      %mul3A_94 = arith.muli %select_n3A_92, %mul3A_93 : i32
      %swap3A = arith.index_cast %select_n3A_78 : i32 to index
      %swap3A_95 = arith.index_cast %mul3A_94 : i32 to index
      %swap3A_96 = tpu.vector_load %arg9[%swap3A, %swap3A_95] {strides = array<i32>} : memref<128x128xf32, #tpu.memory_space<vmem>>, vector<1x16xf32>,
      %swap3A_97 = vector.shape_cast %swap3A_96 : vector<1x16xf32> to vector<16xf32>
      %swap3A_98 = vector.shape_cast %broadcast_in_dim3A_1 : vector<16xf32> to vector<1x16xf32>
      tpu.vector_store %arg9[%swap3A, %swap3A_95], %swap3A_98 {strides = array<i32>} : memref<128x128xf32, #tpu.memory_space<vmem>>, vector<1x16xf32>,
      %scan3A_99 = arith.constant 0 : i32
      scf.yield %scan3A_99 : i32
    }
    %scan3A_7 = arith.constant 1024 : i32
    %scan3A_8 = arith.constant 0 : i32
    %scan3A_9 = arith.constant 0 : i32
    %scan3A_10 = arith.constant 5 : i32
    %scan3A_11 = arith.addi %scan3A_9, %scan3A_10 : i32
    %scan3A_12 = arith.constant 1 : i32
    %scan3A_13 = scf.for %scan3A_53 = %scan3A_9 to %scan3A_11 step %scan3A_12 iter_args(%scan3A_54 = %scan3A_8) -> (i32)  : i32 {
      %mul3A_55 = arith.constant 640 : i32
      %mul3A_56 = arith.muli %arg1, %mul3A_55 : i32
      %mul3A_57 = arith.constant 128 : i32
      %mul3A_58 = arith.muli %scan3A_53, %mul3A_57 : i32
      %add3A_59 = arith.addi %mul3A_56, %mul3A_58 : i32
      "tpu.region"() ({
        %run_scoped3A = tpu.sem_alloc : memref<!tpu.dma_semaphore, #tpu.memory_space<semaphore_mem>>
        %dma_start3A = arith.constant 0 : i32
        %dma_start3A_61 = tpu.memref_slice %arg6[%add3A_59, %dma_start3A] : memref<10240x128xf32, #tpu.memory_space<vmem_shared>> -> memref<128x128xf32, #tpu.memory_space<vmem_shared>>
        %dma_start3A_62 = arith.constant 0 : i32
        %dma_start3A_63 = tpu.memref_slice %arg6[%add3A_59, %dma_start3A_62] : memref<10240x128xf32, #tpu.memory_space<vmem_shared>> -> memref<128x128xf32, #tpu.memory_space<vmem_shared>>
        tpu.enqueue_dma source(%arg9 : memref<128x128xf32, #tpu.memory_space<vmem>>) target(%dma_start3A_63 : memref<128x128xf32, #tpu.memory_space<vmem_shared>>) target_semaphore(%run_scoped3A : memref<!tpu.dma_semaphore, #tpu.memory_space<semaphore_mem>>)
        %dma_wait3A = arith.constant 0 : i32
        %dma_wait3A_64 = tpu.memref_slice %arg6[%add3A_59, %dma_wait3A] : memref<10240x128xf32, #tpu.memory_space<vmem_shared>> -> memref<128x128xf32, #tpu.memory_space<vmem_shared>>
        %dma_wait3A_65 = arith.constant 0 : i32
        %dma_wait3A_66 = tpu.memref_slice %arg6[%add3A_59, %dma_wait3A_65] : memref<10240x128xf32, #tpu.memory_space<vmem_shared>> -> memref<128x128xf32, #tpu.memory_space<vmem_shared>>
        tpu.wait_dma2 semaphore(%run_scoped3A : memref<!tpu.dma_semaphore, #tpu.memory_space<semaphore_mem>>) src(%arg9 : memref<128x128xf32, #tpu.memory_space<vmem>>) dst(%dma_wait3A_66 : memref<128x128xf32, #tpu.memory_space<vmem_shared>>)
        tpu.yield
      }) : () -> ()
      %scan3A_60 = arith.constant 0 : i32
      scf.yield %scan3A_60 : i32
    }
    %scan3A_14 = arith.constant 5 : i32
    %barrier3A = arith.constant 0 : index
    tpu.barrier barrier_id(%barrier3A)
    %sub3A = arith.constant 2500 : i32
    %sub3A_15 = arith.subi %sub3A, %add3A : i32
    %add3A_16 = arith.constant 32 : i32
    %add3A_17 = arith.addi %sub3A_15, %add3A_16 : i32
    %sub3A_18 = arith.constant 1 : i32
    %sub3A_19 = arith.subi %add3A_17, %sub3A_18 : i32
    %jit3A = arith.constant 32 : i32
    %div3A = arith.divsi %sub3A_19, %jit3A : i32
    %sign3A = arith.constant 0 : i32
    %sign3A_20 = arith.cmpi sgt, %sub3A_19, %sign3A : i32
    %sign3A_21 = arith.extui %sign3A_20 : i1 to i32
    %sign3A_22 = arith.constant 0 : i32
    %sign3A_23 = arith.cmpi slt, %sub3A_19, %sign3A_22 : i32
    %sign3A_24 = arith.extui %sign3A_23 : i1 to i32
    %sign3A_25 = arith.subi %sign3A_21, %sign3A_24 : i32
    %sign3A_26 = arith.constant 0 : i32
    %sign3A_27 = arith.cmpi sgt, %jit3A, %sign3A_26 : i32
    %sign3A_28 = arith.extui %sign3A_27 : i1 to i32
    %sign3A_29 = arith.constant 0 : i32
    %sign3A_30 = arith.cmpi slt, %jit3A, %sign3A_29 : i32
    %sign3A_31 = arith.extui %sign3A_30 : i1 to i32
    %sign3A_32 = arith.subi %sign3A_28, %sign3A_31 : i32
    %ne3A = arith.cmpi ne, %sign3A_25, %sign3A_32 : i32
    %rem3A = arith.remsi %sub3A_19, %jit3A : i32
    %ne3A_33 = arith.constant 0 : i32
    %ne3A_34 = arith.cmpi ne, %rem3A, %ne3A_33 : i32
    %and3A = arith.andi %ne3A, %ne3A_34 : i1
    %sub3A_35 = arith.constant 1 : i32
    %sub3A_36 = arith.subi %div3A, %sub3A_35 : i32
    %select_n3A = arith.select %and3A, %sub3A_36, %div3A : i32
    %while3A = arith.constant 0 : i32
    %while3A_37 = arith.constant 0 : i32
    %while3A_38 = arith.subi %select_n3A, %while3A : i32
    %while3A_39 = arith.addi %while3A, %while3A_38 : i32
    %while3A_40 = arith.constant 1 : i32
    %while3A_41 = arith.divsi %while3A_38, %while3A_40 : i32
    %while3A_42 = arith.muli %while3A_41, %while3A_40 : i32
    %while3A_43 = arith.addi %while3A, %while3A_42 : i32
    %while3A_44 = arith.constant 1 : i32
    %while3A_45 = scf.for %while3A_53 = %while3A to %while3A_43 step %while3A_44 iter_args(%while3A_54 = %while3A_37) -> (i32)  : i32 {
      %mul3A_55 = arith.constant 32 : i32
      %mul3A_56 = arith.muli %while3A_53, %mul3A_55 : i32
      %add3A_57 = arith.addi %add3A, %mul3A_56 : i32
      "tpu.region"() ({
        %run_scoped3A = tpu.sem_alloc : memref<!tpu.dma_semaphore, #tpu.memory_space<semaphore_mem>>
        %dma_start3A_63 = arith.constant 0 : i32
        %dma_start3A_64 = tpu.memref_slice %arg3[%add3A_57, %dma_start3A_63] : memref<2500x128xi32, #tpu.memory_space<hbm>> -> memref<1x128xi32, #tpu.memory_space<hbm>>
        %dma_start3A_65 = tpu.memref_squeeze %dma_start3A_64 : memref<1x128xi32, #tpu.memory_space<hbm>> -> memref<128xi32, #tpu.memory_space<hbm>>
        %dma_start3A_66 = arith.constant 0 : i32
        %dma_start3A_67 = tpu.memref_slice %arg3[%add3A_57, %dma_start3A_66] : memref<2500x128xi32, #tpu.memory_space<hbm>> -> memref<1x128xi32, #tpu.memory_space<hbm>>
        %dma_start3A_68 = tpu.memref_squeeze %dma_start3A_67 : memref<1x128xi32, #tpu.memory_space<hbm>> -> memref<128xi32, #tpu.memory_space<hbm>>
        tpu.enqueue_dma source(%dma_start3A_68 : memref<128xi32, #tpu.memory_space<hbm>>) target(%arg7 : memref<128xi32, #tpu.memory_space<vmem>>) target_semaphore(%run_scoped3A : memref<!tpu.dma_semaphore, #tpu.memory_space<semaphore_mem>>)
        %dma_wait3A_69 = arith.constant 0 : i32
        %dma_wait3A_70 = tpu.memref_slice %arg3[%add3A_57, %dma_wait3A_69] : memref<2500x128xi32, #tpu.memory_space<hbm>> -> memref<1x128xi32, #tpu.memory_space<hbm>>
        %dma_wait3A_71 = tpu.memref_squeeze %dma_wait3A_70 : memref<1x128xi32, #tpu.memory_space<hbm>> -> memref<128xi32, #tpu.memory_space<hbm>>
        %dma_wait3A_72 = arith.constant 0 : i32
        %dma_wait3A_73 = tpu.memref_slice %arg3[%add3A_57, %dma_wait3A_72] : memref<2500x128xi32, #tpu.memory_space<hbm>> -> memref<1x128xi32, #tpu.memory_space<hbm>>
        %dma_wait3A_74 = tpu.memref_squeeze %dma_wait3A_73 : memref<1x128xi32, #tpu.memory_space<hbm>> -> memref<128xi32, #tpu.memory_space<hbm>>
        tpu.wait_dma2 semaphore(%run_scoped3A : memref<!tpu.dma_semaphore, #tpu.memory_space<semaphore_mem>>) src(%dma_wait3A_74 : memref<128xi32, #tpu.memory_space<hbm>>) dst(%arg7 : memref<128xi32, #tpu.memory_space<vmem>>)
        tpu.yield
      }) : () -> ()
      "tpu.region"() ({
        %run_scoped3A = tpu.sem_alloc : memref<!tpu.dma_semaphore, #tpu.memory_space<semaphore_mem>>
        %dma_start3A_63 = arith.constant 0 : i32
        %dma_start3A_64 = tpu.memref_slice %arg4[%add3A_57, %dma_start3A_63] : memref<2500x128xi32, #tpu.memory_space<hbm>> -> memref<1x128xi32, #tpu.memory_space<hbm>>
        %dma_start3A_65 = tpu.memref_squeeze %dma_start3A_64 : memref<1x128xi32, #tpu.memory_space<hbm>> -> memref<128xi32, #tpu.memory_space<hbm>>
        %dma_start3A_66 = arith.constant 0 : i32
        %dma_start3A_67 = tpu.memref_slice %arg4[%add3A_57, %dma_start3A_66] : memref<2500x128xi32, #tpu.memory_space<hbm>> -> memref<1x128xi32, #tpu.memory_space<hbm>>
        %dma_start3A_68 = tpu.memref_squeeze %dma_start3A_67 : memref<1x128xi32, #tpu.memory_space<hbm>> -> memref<128xi32, #tpu.memory_space<hbm>>
        tpu.enqueue_dma source(%dma_start3A_68 : memref<128xi32, #tpu.memory_space<hbm>>) target(%arg8 : memref<128xi32, #tpu.memory_space<vmem>>) target_semaphore(%run_scoped3A : memref<!tpu.dma_semaphore, #tpu.memory_space<semaphore_mem>>)
        %dma_wait3A_69 = arith.constant 0 : i32
        %dma_wait3A_70 = tpu.memref_slice %arg4[%add3A_57, %dma_wait3A_69] : memref<2500x128xi32, #tpu.memory_space<hbm>> -> memref<1x128xi32, #tpu.memory_space<hbm>>
        %dma_wait3A_71 = tpu.memref_squeeze %dma_wait3A_70 : memref<1x128xi32, #tpu.memory_space<hbm>> -> memref<128xi32, #tpu.memory_space<hbm>>
        %dma_wait3A_72 = arith.constant 0 : i32
        %dma_wait3A_73 = tpu.memref_slice %arg4[%add3A_57, %dma_wait3A_72] : memref<2500x128xi32, #tpu.memory_space<hbm>> -> memref<1x128xi32, #tpu.memory_space<hbm>>
        %dma_wait3A_74 = tpu.memref_squeeze %dma_wait3A_73 : memref<1x128xi32, #tpu.memory_space<hbm>> -> memref<128xi32, #tpu.memory_space<hbm>>
        tpu.wait_dma2 semaphore(%run_scoped3A : memref<!tpu.dma_semaphore, #tpu.memory_space<semaphore_mem>>) src(%dma_wait3A_74 : memref<128xi32, #tpu.memory_space<hbm>>) dst(%arg8 : memref<128xi32, #tpu.memory_space<vmem>>)
        tpu.yield
      }) : () -> ()
      %dma_start3A = arith.constant 0 : i32
      %dma_start3A_58 = arith.constant 0 : i32
      %dma_start3A_59 = tpu.memref_slice %arg2[%dma_start3A, %dma_start3A_58] : memref<10000x128xf32, #tpu.memory_space<hbm>> -> memref<10000x128xf32, #tpu.memory_space<hbm>>
      tpu.enqueue_indirect_dma source(%dma_start3A_59 : memref<10000x128xf32, #tpu.memory_space<hbm>>) target(%arg9 : memref<128x128xf32, #tpu.memory_space<vmem>>) offsets(%arg7 : memref<128xi32, #tpu.memory_space<vmem>>) semaphore(%arg10 : memref<!tpu.dma_semaphore, #tpu.memory_space<semaphore_mem>>)
      %dma_wait3A = arith.constant 0 : i32
      %dma_wait3A_60 = arith.constant 0 : i32
      %dma_wait3A_61 = tpu.memref_slice %arg2[%dma_wait3A, %dma_wait3A_60] : memref<10000x128xf32, #tpu.memory_space<hbm>> -> memref<10000x128xf32, #tpu.memory_space<hbm>>
      tpu.wait_indirect_dma semaphore(%arg10 : memref<!tpu.dma_semaphore, #tpu.memory_space<semaphore_mem>>) src(%dma_wait3A_61 : memref<10000x128xf32, #tpu.memory_space<hbm>>) dst(%arg9 : memref<128x128xf32, #tpu.memory_space<vmem>>)
      "tpu.region"() ({
        %run_scoped3A = tpu.sem_alloc : memref<!tpu.dma_semaphore, #tpu.memory_space<semaphore_mem>>
        %dma_start3A_63 = arith.constant 0 : i32
        %dma_start3A_64 = arith.constant 0 : i32
        %dma_start3A_65 = tpu.memref_slice %arg6[%dma_start3A_63, %dma_start3A_64] : memref<10240x128xf32, #tpu.memory_space<vmem_shared>> -> memref<10240x128xf32, #tpu.memory_space<vmem_shared>>
        tpu.enqueue_indirect_dma source(%arg9 : memref<128x128xf32, #tpu.memory_space<vmem>>) target(%dma_start3A_65 : memref<10240x128xf32, #tpu.memory_space<vmem_shared>>) offsets(%arg8 : memref<128xi32, #tpu.memory_space<vmem>>) semaphore(%run_scoped3A : memref<!tpu.dma_semaphore, #tpu.memory_space<semaphore_mem>>) {add = true}
        %dma_wait3A_66 = arith.constant 0 : i32
        %dma_wait3A_67 = arith.constant 0 : i32
        %dma_wait3A_68 = tpu.memref_slice %arg6[%dma_wait3A_66, %dma_wait3A_67] : memref<10240x128xf32, #tpu.memory_space<vmem_shared>> -> memref<10240x128xf32, #tpu.memory_space<vmem_shared>>
        tpu.wait_indirect_dma semaphore(%run_scoped3A : memref<!tpu.dma_semaphore, #tpu.memory_space<semaphore_mem>>) src(%arg9 : memref<128x128xf32, #tpu.memory_space<vmem>>) dst(%dma_wait3A_68 : memref<10240x128xf32, #tpu.memory_space<vmem_shared>>)
        tpu.yield
      }) : () -> ()
      %while3A_62 = arith.constant 0 : i32
      scf.yield %while3A_62 : i32
    }
    %while3A_46 = arith.constant 1 : i32
    %while3A_47 = scf.for %while3A_53 = %while3A_43 to %while3A_39 step %while3A_46 iter_args(%while3A_54 = %while3A_45) -> (i32)  : i32 {
      %mul3A_55 = arith.constant 32 : i32
      %mul3A_56 = arith.muli %while3A_53, %mul3A_55 : i32
      %add3A_57 = arith.addi %add3A, %mul3A_56 : i32
      "tpu.region"() ({
        %run_scoped3A = tpu.sem_alloc : memref<!tpu.dma_semaphore, #tpu.memory_space<semaphore_mem>>
        %dma_start3A_63 = arith.constant 0 : i32
        %dma_start3A_64 = tpu.memref_slice %arg3[%add3A_57, %dma_start3A_63] : memref<2500x128xi32, #tpu.memory_space<hbm>> -> memref<1x128xi32, #tpu.memory_space<hbm>>
        %dma_start3A_65 = tpu.memref_squeeze %dma_start3A_64 : memref<1x128xi32, #tpu.memory_space<hbm>> -> memref<128xi32, #tpu.memory_space<hbm>>
        %dma_start3A_66 = arith.constant 0 : i32
        %dma_start3A_67 = tpu.memref_slice %arg3[%add3A_57, %dma_start3A_66] : memref<2500x128xi32, #tpu.memory_space<hbm>> -> memref<1x128xi32, #tpu.memory_space<hbm>>
        %dma_start3A_68 = tpu.memref_squeeze %dma_start3A_67 : memref<1x128xi32, #tpu.memory_space<hbm>> -> memref<128xi32, #tpu.memory_space<hbm>>
        tpu.enqueue_dma source(%dma_start3A_68 : memref<128xi32, #tpu.memory_space<hbm>>) target(%arg7 : memref<128xi32, #tpu.memory_space<vmem>>) target_semaphore(%run_scoped3A : memref<!tpu.dma_semaphore, #tpu.memory_space<semaphore_mem>>)
        %dma_wait3A_69 = arith.constant 0 : i32
        %dma_wait3A_70 = tpu.memref_slice %arg3[%add3A_57, %dma_wait3A_69] : memref<2500x128xi32, #tpu.memory_space<hbm>> -> memref<1x128xi32, #tpu.memory_space<hbm>>
        %dma_wait3A_71 = tpu.memref_squeeze %dma_wait3A_70 : memref<1x128xi32, #tpu.memory_space<hbm>> -> memref<128xi32, #tpu.memory_space<hbm>>
        %dma_wait3A_72 = arith.constant 0 : i32
        %dma_wait3A_73 = tpu.memref_slice %arg3[%add3A_57, %dma_wait3A_72] : memref<2500x128xi32, #tpu.memory_space<hbm>> -> memref<1x128xi32, #tpu.memory_space<hbm>>
        %dma_wait3A_74 = tpu.memref_squeeze %dma_wait3A_73 : memref<1x128xi32, #tpu.memory_space<hbm>> -> memref<128xi32, #tpu.memory_space<hbm>>
        tpu.wait_dma2 semaphore(%run_scoped3A : memref<!tpu.dma_semaphore, #tpu.memory_space<semaphore_mem>>) src(%dma_wait3A_74 : memref<128xi32, #tpu.memory_space<hbm>>) dst(%arg7 : memref<128xi32, #tpu.memory_space<vmem>>)
        tpu.yield
      }) : () -> ()
      "tpu.region"() ({
        %run_scoped3A = tpu.sem_alloc : memref<!tpu.dma_semaphore, #tpu.memory_space<semaphore_mem>>
        %dma_start3A_63 = arith.constant 0 : i32
        %dma_start3A_64 = tpu.memref_slice %arg4[%add3A_57, %dma_start3A_63] : memref<2500x128xi32, #tpu.memory_space<hbm>> -> memref<1x128xi32, #tpu.memory_space<hbm>>
        %dma_start3A_65 = tpu.memref_squeeze %dma_start3A_64 : memref<1x128xi32, #tpu.memory_space<hbm>> -> memref<128xi32, #tpu.memory_space<hbm>>
        %dma_start3A_66 = arith.constant 0 : i32
        %dma_start3A_67 = tpu.memref_slice %arg4[%add3A_57, %dma_start3A_66] : memref<2500x128xi32, #tpu.memory_space<hbm>> -> memref<1x128xi32, #tpu.memory_space<hbm>>
        %dma_start3A_68 = tpu.memref_squeeze %dma_start3A_67 : memref<1x128xi32, #tpu.memory_space<hbm>> -> memref<128xi32, #tpu.memory_space<hbm>>
        tpu.enqueue_dma source(%dma_start3A_68 : memref<128xi32, #tpu.memory_space<hbm>>) target(%arg8 : memref<128xi32, #tpu.memory_space<vmem>>) target_semaphore(%run_scoped3A : memref<!tpu.dma_semaphore, #tpu.memory_space<semaphore_mem>>)
        %dma_wait3A_69 = arith.constant 0 : i32
        %dma_wait3A_70 = tpu.memref_slice %arg4[%add3A_57, %dma_wait3A_69] : memref<2500x128xi32, #tpu.memory_space<hbm>> -> memref<1x128xi32, #tpu.memory_space<hbm>>
        %dma_wait3A_71 = tpu.memref_squeeze %dma_wait3A_70 : memref<1x128xi32, #tpu.memory_space<hbm>> -> memref<128xi32, #tpu.memory_space<hbm>>
        %dma_wait3A_72 = arith.constant 0 : i32
        %dma_wait3A_73 = tpu.memref_slice %arg4[%add3A_57, %dma_wait3A_72] : memref<2500x128xi32, #tpu.memory_space<hbm>> -> memref<1x128xi32, #tpu.memory_space<hbm>>
        %dma_wait3A_74 = tpu.memref_squeeze %dma_wait3A_73 : memref<1x128xi32, #tpu.memory_space<hbm>> -> memref<128xi32, #tpu.memory_space<hbm>>
        tpu.wait_dma2 semaphore(%run_scoped3A : memref<!tpu.dma_semaphore, #tpu.memory_space<semaphore_mem>>) src(%dma_wait3A_74 : memref<128xi32, #tpu.memory_space<hbm>>) dst(%arg8 : memref<128xi32, #tpu.memory_space<vmem>>)
        tpu.yield
      }) : () -> ()
      %dma_start3A = arith.constant 0 : i32
      %dma_start3A_58 = arith.constant 0 : i32
      %dma_start3A_59 = tpu.memref_slice %arg2[%dma_start3A, %dma_start3A_58] : memref<10000x128xf32, #tpu.memory_space<hbm>> -> memref<10000x128xf32, #tpu.memory_space<hbm>>
      tpu.enqueue_indirect_dma source(%dma_start3A_59 : memref<10000x128xf32, #tpu.memory_space<hbm>>) target(%arg9 : memref<128x128xf32, #tpu.memory_space<vmem>>) offsets(%arg7 : memref<128xi32, #tpu.memory_space<vmem>>) semaphore(%arg10 : memref<!tpu.dma_semaphore, #tpu.memory_space<semaphore_mem>>)
      %dma_wait3A = arith.constant 0 : i32
      %dma_wait3A_60 = arith.constant 0 : i32
      %dma_wait3A_61 = tpu.memref_slice %arg2[%dma_wait3A, %dma_wait3A_60] : memref<10000x128xf32, #tpu.memory_space<hbm>> -> memref<10000x128xf32, #tpu.memory_space<hbm>>
      tpu.wait_indirect_dma semaphore(%arg10 : memref<!tpu.dma_semaphore, #tpu.memory_space<semaphore_mem>>) src(%dma_wait3A_61 : memref<10000x128xf32, #tpu.memory_space<hbm>>) dst(%arg9 : memref<128x128xf32, #tpu.memory_space<vmem>>)
      "tpu.region"() ({
        %run_scoped3A = tpu.sem_alloc : memref<!tpu.dma_semaphore, #tpu.memory_space<semaphore_mem>>
        %dma_start3A_63 = arith.constant 0 : i32
        %dma_start3A_64 = arith.constant 0 : i32
        %dma_start3A_65 = tpu.memref_slice %arg6[%dma_start3A_63, %dma_start3A_64] : memref<10240x128xf32, #tpu.memory_space<vmem_shared>> -> memref<10240x128xf32, #tpu.memory_space<vmem_shared>>
        tpu.enqueue_indirect_dma source(%arg9 : memref<128x128xf32, #tpu.memory_space<vmem>>) target(%dma_start3A_65 : memref<10240x128xf32, #tpu.memory_space<vmem_shared>>) offsets(%arg8 : memref<128xi32, #tpu.memory_space<vmem>>) semaphore(%run_scoped3A : memref<!tpu.dma_semaphore, #tpu.memory_space<semaphore_mem>>) {add = true}
        %dma_wait3A_66 = arith.constant 0 : i32
        %dma_wait3A_67 = arith.constant 0 : i32
        %dma_wait3A_68 = tpu.memref_slice %arg6[%dma_wait3A_66, %dma_wait3A_67] : memref<10240x128xf32, #tpu.memory_space<vmem_shared>> -> memref<10240x128xf32, #tpu.memory_space<vmem_shared>>
        tpu.wait_indirect_dma semaphore(%run_scoped3A : memref<!tpu.dma_semaphore, #tpu.memory_space<semaphore_mem>>) src(%arg9 : memref<128x128xf32, #tpu.memory_space<vmem>>) dst(%dma_wait3A_68 : memref<10240x128xf32, #tpu.memory_space<vmem_shared>>)
        tpu.yield
      }) : () -> ()
      %while3A_62 = arith.constant 0 : i32
      scf.yield %while3A_62 : i32
    }
    %barrier3A_48 = arith.constant 0 : index
    tpu.barrier barrier_id(%barrier3A_48)
    %mul3A_49 = arith.constant 640 : i32
    %mul3A_50 = arith.muli %arg1, %mul3A_49 : i32
    %mul3A_51 = arith.constant 640 : i32
    %mul3A_52 = arith.muli %arg1, %mul3A_51 : i32
    "tpu.region"() ({
      %run_scoped3A = tpu.sem_alloc : memref<!tpu.dma_semaphore, #tpu.memory_space<semaphore_mem>>
      %dma_start3A = arith.constant 0 : i32
      %dma_start3A_53 = tpu.memref_slice %arg5[%arg0, %mul3A_52, %dma_start3A] : memref<2x10240x128xf32, #tpu.memory_space<hbm>> -> memref<1x640x128xf32, #tpu.memory_space<hbm>>
      %dma_start3A_54 = tpu.memref_squeeze %dma_start3A_53 : memref<1x640x128xf32, #tpu.memory_space<hbm>> -> memref<640x128xf32, #tpu.memory_space<hbm>>
      %dma_start3A_55 = arith.constant 0 : i32
      %dma_start3A_56 = tpu.memref_slice %arg6[%mul3A_50, %dma_start3A_55] : memref<10240x128xf32, #tpu.memory_space<vmem_shared>> -> memref<640x128xf32, #tpu.memory_space<vmem_shared>>
      tpu.enqueue_dma source(%dma_start3A_56 : memref<640x128xf32, #tpu.memory_space<vmem_shared>>) target(%dma_start3A_54 : memref<640x128xf32, #tpu.memory_space<hbm>>) target_semaphore(%run_scoped3A : memref<!tpu.dma_semaphore, #tpu.memory_space<semaphore_mem>>)
      %dma_wait3A = arith.constant 0 : i32
      %dma_wait3A_57 = tpu.memref_slice %arg5[%arg0, %mul3A_52, %dma_wait3A] : memref<2x10240x128xf32, #tpu.memory_space<hbm>> -> memref<1x640x128xf32, #tpu.memory_space<hbm>>
      %dma_wait3A_58 = tpu.memref_squeeze %dma_wait3A_57 : memref<1x640x128xf32, #tpu.memory_space<hbm>> -> memref<640x128xf32, #tpu.memory_space<hbm>>
      %dma_wait3A_59 = arith.constant 0 : i32
      %dma_wait3A_60 = tpu.memref_slice %arg6[%mul3A_50, %dma_wait3A_59] : memref<10240x128xf32, #tpu.memory_space<vmem_shared>> -> memref<640x128xf32, #tpu.memory_space<vmem_shared>>
      tpu.wait_dma2 semaphore(%run_scoped3A : memref<!tpu.dma_semaphore, #tpu.memory_space<semaphore_mem>>) src(%dma_wait3A_60 : memref<640x128xf32, #tpu.memory_space<vmem_shared>>) dst(%dma_wait3A_58 : memref<640x128xf32, #tpu.memory_space<hbm>>)
      tpu.yield
    }) : () -> ()
    return
  }
}

#map = affine_map<(d0, d1) -> (0, 0)>
module attributes {stable_mosaic.version = 14 : i64} {
  func.func @_deg_body(%arg0: i32, %arg1: i32, %arg2: memref<2500x128xi32, #tpu.memory_space<hbm>>, %arg3: memref<2x10240xf32, #tpu.memory_space<hbm>>, %arg4: memref<10240xf32, #tpu.memory_space<vmem_shared>>, %arg5: memref<128xi32, #tpu.memory_space<vmem>>, %arg6: memref<128xf32, #tpu.memory_space<vmem>>, %arg7: memref<640xf32, #tpu.memory_space<vmem>>) attributes {dimension_semantics = [#tpu.dimension_semantics<core_parallel>, #tpu.dimension_semantics<subcore_parallel>], iteration_bounds = array<i64: 2, 16>, scalar_prefetch = 0 : i64, scratch_operands = 4 : i64, tpu.core_type = #tpu.core_type<sc_vector_subcore>, window_params = [{transform_indices = #map}, {transform_indices = #map}]} {
    %mul3A = arith.constant 2 : i32
    %mul3A_0 = arith.muli %arg1, %mul3A : i32
    %add3A = arith.addi %mul3A_0, %arg0 : i32
    %broadcast_in_dim3A = arith.constant 1.000000e+00 : f32
    %broadcast_in_dim3A_1 = vector.broadcast %broadcast_in_dim3A : f32 to vector<16xf32>
    %scan3A = arith.constant 0 : i32
    %scan3A_2 = arith.constant 0 : i32
    %scan3A_3 = arith.constant 8 : i32
    %scan3A_4 = arith.addi %scan3A_2, %scan3A_3 : i32
    %scan3A_5 = arith.constant 1 : i32
    %scan3A_6 = scf.for %scan3A_57 = %scan3A_2 to %scan3A_4 step %scan3A_5 iter_args(%scan3A_58 = %scan3A) -> (i32)  : i32 {
      %mul3A_59 = arith.constant 16 : i32
      %mul3A_60 = arith.muli %scan3A_57, %mul3A_59 : i32
      %swap3A = arith.index_cast %mul3A_60 : i32 to index
      %swap3A_61 = tpu.vector_load %arg6[%swap3A] {strides = array<i32>} : memref<128xf32, #tpu.memory_space<vmem>>, vector<16xf32>,
      %swap3A_62 = vector.shape_cast %swap3A_61 : vector<16xf32> to vector<16xf32>
      %swap3A_63 = vector.shape_cast %broadcast_in_dim3A_1 : vector<16xf32> to vector<16xf32>
      tpu.vector_store %arg6[%swap3A], %swap3A_63 {strides = array<i32>} : memref<128xf32, #tpu.memory_space<vmem>>, vector<16xf32>,
      %scan3A_64 = arith.constant 0 : i32
      scf.yield %scan3A_64 : i32
    }
    %scan3A_7 = arith.constant 8 : i32
    %broadcast_in_dim3A_8 = arith.constant 0.000000e+00 : f32
    %broadcast_in_dim3A_9 = vector.broadcast %broadcast_in_dim3A_8 : f32 to vector<16xf32>
    %scan3A_10 = arith.constant 0 : i32
    %scan3A_11 = arith.constant 0 : i32
    %scan3A_12 = arith.constant 40 : i32
    %scan3A_13 = arith.addi %scan3A_11, %scan3A_12 : i32
    %scan3A_14 = arith.constant 1 : i32
    %scan3A_15 = scf.for %scan3A_57 = %scan3A_11 to %scan3A_13 step %scan3A_14 iter_args(%scan3A_58 = %scan3A_10) -> (i32)  : i32 {
      %mul3A_59 = arith.constant 16 : i32
      %mul3A_60 = arith.muli %scan3A_57, %mul3A_59 : i32
      %swap3A = arith.index_cast %mul3A_60 : i32 to index
      %swap3A_61 = tpu.vector_load %arg7[%swap3A] {strides = array<i32>} : memref<640xf32, #tpu.memory_space<vmem>>, vector<16xf32>,
      %swap3A_62 = vector.shape_cast %swap3A_61 : vector<16xf32> to vector<16xf32>
      %swap3A_63 = vector.shape_cast %broadcast_in_dim3A_9 : vector<16xf32> to vector<16xf32>
      tpu.vector_store %arg7[%swap3A], %swap3A_63 {strides = array<i32>} : memref<640xf32, #tpu.memory_space<vmem>>, vector<16xf32>,
      %scan3A_64 = arith.constant 0 : i32
      scf.yield %scan3A_64 : i32
    }
    %scan3A_16 = arith.constant 40 : i32
    %mul3A_17 = arith.constant 640 : i32
    %mul3A_18 = arith.muli %arg1, %mul3A_17 : i32
    "tpu.region"() ({
      %run_scoped3A = tpu.sem_alloc : memref<!tpu.dma_semaphore, #tpu.memory_space<semaphore_mem>>
      %dma_start3A = tpu.memref_slice %arg4[%mul3A_18] : memref<10240xf32, #tpu.memory_space<vmem_shared>> -> memref<640xf32, #tpu.memory_space<vmem_shared>>
      %dma_start3A_57 = tpu.memref_slice %arg4[%mul3A_18] : memref<10240xf32, #tpu.memory_space<vmem_shared>> -> memref<640xf32, #tpu.memory_space<vmem_shared>>
      tpu.enqueue_dma source(%arg7 : memref<640xf32, #tpu.memory_space<vmem>>) target(%dma_start3A_57 : memref<640xf32, #tpu.memory_space<vmem_shared>>) target_semaphore(%run_scoped3A : memref<!tpu.dma_semaphore, #tpu.memory_space<semaphore_mem>>)
      %dma_wait3A = tpu.memref_slice %arg4[%mul3A_18] : memref<10240xf32, #tpu.memory_space<vmem_shared>> -> memref<640xf32, #tpu.memory_space<vmem_shared>>
      %dma_wait3A_58 = tpu.memref_slice %arg4[%mul3A_18] : memref<10240xf32, #tpu.memory_space<vmem_shared>> -> memref<640xf32, #tpu.memory_space<vmem_shared>>
      tpu.wait_dma2 semaphore(%run_scoped3A : memref<!tpu.dma_semaphore, #tpu.memory_space<semaphore_mem>>) src(%arg7 : memref<640xf32, #tpu.memory_space<vmem>>) dst(%dma_wait3A_58 : memref<640xf32, #tpu.memory_space<vmem_shared>>)
      tpu.yield
    }) : () -> ()
    %barrier3A = arith.constant 0 : index
    tpu.barrier barrier_id(%barrier3A)
    %sub3A = arith.constant 2500 : i32
    %sub3A_19 = arith.subi %sub3A, %add3A : i32
    %add3A_20 = arith.constant 32 : i32
    %add3A_21 = arith.addi %sub3A_19, %add3A_20 : i32
    %sub3A_22 = arith.constant 1 : i32
    %sub3A_23 = arith.subi %add3A_21, %sub3A_22 : i32
    %jit3A = arith.constant 32 : i32
    %div3A = arith.divsi %sub3A_23, %jit3A : i32
    %sign3A = arith.constant 0 : i32
    %sign3A_24 = arith.cmpi sgt, %sub3A_23, %sign3A : i32
    %sign3A_25 = arith.extui %sign3A_24 : i1 to i32
    %sign3A_26 = arith.constant 0 : i32
    %sign3A_27 = arith.cmpi slt, %sub3A_23, %sign3A_26 : i32
    %sign3A_28 = arith.extui %sign3A_27 : i1 to i32
    %sign3A_29 = arith.subi %sign3A_25, %sign3A_28 : i32
    %sign3A_30 = arith.constant 0 : i32
    %sign3A_31 = arith.cmpi sgt, %jit3A, %sign3A_30 : i32
    %sign3A_32 = arith.extui %sign3A_31 : i1 to i32
    %sign3A_33 = arith.constant 0 : i32
    %sign3A_34 = arith.cmpi slt, %jit3A, %sign3A_33 : i32
    %sign3A_35 = arith.extui %sign3A_34 : i1 to i32
    %sign3A_36 = arith.subi %sign3A_32, %sign3A_35 : i32
    %ne3A = arith.cmpi ne, %sign3A_29, %sign3A_36 : i32
    %rem3A = arith.remsi %sub3A_23, %jit3A : i32
    %ne3A_37 = arith.constant 0 : i32
    %ne3A_38 = arith.cmpi ne, %rem3A, %ne3A_37 : i32
    %and3A = arith.andi %ne3A, %ne3A_38 : i1
    %sub3A_39 = arith.constant 1 : i32
    %sub3A_40 = arith.subi %div3A, %sub3A_39 : i32
    %select_n3A = arith.select %and3A, %sub3A_40, %div3A : i32
    %while3A = arith.constant 0 : i32
    %while3A_41 = arith.constant 0 : i32
    %while3A_42 = arith.subi %select_n3A, %while3A : i32
    %while3A_43 = arith.addi %while3A, %while3A_42 : i32
    %while3A_44 = arith.constant 1 : i32
    %while3A_45 = arith.divsi %while3A_42, %while3A_44 : i32
    %while3A_46 = arith.muli %while3A_45, %while3A_44 : i32
    %while3A_47 = arith.addi %while3A, %while3A_46 : i32
    %while3A_48 = arith.constant 1 : i32
    %while3A_49 = scf.for %while3A_57 = %while3A to %while3A_47 step %while3A_48 iter_args(%while3A_58 = %while3A_41) -> (i32)  : i32 {
      %mul3A_59 = arith.constant 32 : i32
      %mul3A_60 = arith.muli %while3A_57, %mul3A_59 : i32
      %add3A_61 = arith.addi %add3A, %mul3A_60 : i32
      "tpu.region"() ({
        %run_scoped3A = tpu.sem_alloc : memref<!tpu.dma_semaphore, #tpu.memory_space<semaphore_mem>>
        %dma_start3A = arith.constant 0 : i32
        %dma_start3A_63 = tpu.memref_slice %arg2[%add3A_61, %dma_start3A] : memref<2500x128xi32, #tpu.memory_space<hbm>> -> memref<1x128xi32, #tpu.memory_space<hbm>>
        %dma_start3A_64 = tpu.memref_squeeze %dma_start3A_63 : memref<1x128xi32, #tpu.memory_space<hbm>> -> memref<128xi32, #tpu.memory_space<hbm>>
        %dma_start3A_65 = arith.constant 0 : i32
        %dma_start3A_66 = tpu.memref_slice %arg2[%add3A_61, %dma_start3A_65] : memref<2500x128xi32, #tpu.memory_space<hbm>> -> memref<1x128xi32, #tpu.memory_space<hbm>>
        %dma_start3A_67 = tpu.memref_squeeze %dma_start3A_66 : memref<1x128xi32, #tpu.memory_space<hbm>> -> memref<128xi32, #tpu.memory_space<hbm>>
        tpu.enqueue_dma source(%dma_start3A_67 : memref<128xi32, #tpu.memory_space<hbm>>) target(%arg5 : memref<128xi32, #tpu.memory_space<vmem>>) target_semaphore(%run_scoped3A : memref<!tpu.dma_semaphore, #tpu.memory_space<semaphore_mem>>)
        %dma_wait3A = arith.constant 0 : i32
        %dma_wait3A_68 = tpu.memref_slice %arg2[%add3A_61, %dma_wait3A] : memref<2500x128xi32, #tpu.memory_space<hbm>> -> memref<1x128xi32, #tpu.memory_space<hbm>>
        %dma_wait3A_69 = tpu.memref_squeeze %dma_wait3A_68 : memref<1x128xi32, #tpu.memory_space<hbm>> -> memref<128xi32, #tpu.memory_space<hbm>>
        %dma_wait3A_70 = arith.constant 0 : i32
        %dma_wait3A_71 = tpu.memref_slice %arg2[%add3A_61, %dma_wait3A_70] : memref<2500x128xi32, #tpu.memory_space<hbm>> -> memref<1x128xi32, #tpu.memory_space<hbm>>
        %dma_wait3A_72 = tpu.memref_squeeze %dma_wait3A_71 : memref<1x128xi32, #tpu.memory_space<hbm>> -> memref<128xi32, #tpu.memory_space<hbm>>
        tpu.wait_dma2 semaphore(%run_scoped3A : memref<!tpu.dma_semaphore, #tpu.memory_space<semaphore_mem>>) src(%dma_wait3A_72 : memref<128xi32, #tpu.memory_space<hbm>>) dst(%arg5 : memref<128xi32, #tpu.memory_space<vmem>>)
        tpu.yield
      }) : () -> ()
      "tpu.region"() ({
        %run_scoped3A = tpu.sem_alloc : memref<!tpu.dma_semaphore, #tpu.memory_space<semaphore_mem>>
        %dma_start3A = arith.constant 0 : i32
        %dma_start3A_63 = tpu.memref_slice %arg4[%dma_start3A] : memref<10240xf32, #tpu.memory_space<vmem_shared>> -> memref<10240xf32, #tpu.memory_space<vmem_shared>>
        tpu.enqueue_indirect_dma source(%arg6 : memref<128xf32, #tpu.memory_space<vmem>>) target(%dma_start3A_63 : memref<10240xf32, #tpu.memory_space<vmem_shared>>) offsets(%arg5 : memref<128xi32, #tpu.memory_space<vmem>>) semaphore(%run_scoped3A : memref<!tpu.dma_semaphore, #tpu.memory_space<semaphore_mem>>) {add = true}
        %dma_wait3A = arith.constant 0 : i32
        %dma_wait3A_64 = tpu.memref_slice %arg4[%dma_wait3A] : memref<10240xf32, #tpu.memory_space<vmem_shared>> -> memref<10240xf32, #tpu.memory_space<vmem_shared>>
        tpu.wait_indirect_dma semaphore(%run_scoped3A : memref<!tpu.dma_semaphore, #tpu.memory_space<semaphore_mem>>) src(%arg6 : memref<128xf32, #tpu.memory_space<vmem>>) dst(%dma_wait3A_64 : memref<10240xf32, #tpu.memory_space<vmem_shared>>)
        tpu.yield
      }) : () -> ()
      %while3A_62 = arith.constant 0 : i32
      scf.yield %while3A_62 : i32
    }
    %while3A_50 = arith.constant 1 : i32
    %while3A_51 = scf.for %while3A_57 = %while3A_47 to %while3A_43 step %while3A_50 iter_args(%while3A_58 = %while3A_49) -> (i32)  : i32 {
      %mul3A_59 = arith.constant 32 : i32
      %mul3A_60 = arith.muli %while3A_57, %mul3A_59 : i32
      %add3A_61 = arith.addi %add3A, %mul3A_60 : i32
      "tpu.region"() ({
        %run_scoped3A = tpu.sem_alloc : memref<!tpu.dma_semaphore, #tpu.memory_space<semaphore_mem>>
        %dma_start3A = arith.constant 0 : i32
        %dma_start3A_63 = tpu.memref_slice %arg2[%add3A_61, %dma_start3A] : memref<2500x128xi32, #tpu.memory_space<hbm>> -> memref<1x128xi32, #tpu.memory_space<hbm>>
        %dma_start3A_64 = tpu.memref_squeeze %dma_start3A_63 : memref<1x128xi32, #tpu.memory_space<hbm>> -> memref<128xi32, #tpu.memory_space<hbm>>
        %dma_start3A_65 = arith.constant 0 : i32
        %dma_start3A_66 = tpu.memref_slice %arg2[%add3A_61, %dma_start3A_65] : memref<2500x128xi32, #tpu.memory_space<hbm>> -> memref<1x128xi32, #tpu.memory_space<hbm>>
        %dma_start3A_67 = tpu.memref_squeeze %dma_start3A_66 : memref<1x128xi32, #tpu.memory_space<hbm>> -> memref<128xi32, #tpu.memory_space<hbm>>
        tpu.enqueue_dma source(%dma_start3A_67 : memref<128xi32, #tpu.memory_space<hbm>>) target(%arg5 : memref<128xi32, #tpu.memory_space<vmem>>) target_semaphore(%run_scoped3A : memref<!tpu.dma_semaphore, #tpu.memory_space<semaphore_mem>>)
        %dma_wait3A = arith.constant 0 : i32
        %dma_wait3A_68 = tpu.memref_slice %arg2[%add3A_61, %dma_wait3A] : memref<2500x128xi32, #tpu.memory_space<hbm>> -> memref<1x128xi32, #tpu.memory_space<hbm>>
        %dma_wait3A_69 = tpu.memref_squeeze %dma_wait3A_68 : memref<1x128xi32, #tpu.memory_space<hbm>> -> memref<128xi32, #tpu.memory_space<hbm>>
        %dma_wait3A_70 = arith.constant 0 : i32
        %dma_wait3A_71 = tpu.memref_slice %arg2[%add3A_61, %dma_wait3A_70] : memref<2500x128xi32, #tpu.memory_space<hbm>> -> memref<1x128xi32, #tpu.memory_space<hbm>>
        %dma_wait3A_72 = tpu.memref_squeeze %dma_wait3A_71 : memref<1x128xi32, #tpu.memory_space<hbm>> -> memref<128xi32, #tpu.memory_space<hbm>>
        tpu.wait_dma2 semaphore(%run_scoped3A : memref<!tpu.dma_semaphore, #tpu.memory_space<semaphore_mem>>) src(%dma_wait3A_72 : memref<128xi32, #tpu.memory_space<hbm>>) dst(%arg5 : memref<128xi32, #tpu.memory_space<vmem>>)
        tpu.yield
      }) : () -> ()
      "tpu.region"() ({
        %run_scoped3A = tpu.sem_alloc : memref<!tpu.dma_semaphore, #tpu.memory_space<semaphore_mem>>
        %dma_start3A = arith.constant 0 : i32
        %dma_start3A_63 = tpu.memref_slice %arg4[%dma_start3A] : memref<10240xf32, #tpu.memory_space<vmem_shared>> -> memref<10240xf32, #tpu.memory_space<vmem_shared>>
        tpu.enqueue_indirect_dma source(%arg6 : memref<128xf32, #tpu.memory_space<vmem>>) target(%dma_start3A_63 : memref<10240xf32, #tpu.memory_space<vmem_shared>>) offsets(%arg5 : memref<128xi32, #tpu.memory_space<vmem>>) semaphore(%run_scoped3A : memref<!tpu.dma_semaphore, #tpu.memory_space<semaphore_mem>>) {add = true}
        %dma_wait3A = arith.constant 0 : i32
        %dma_wait3A_64 = tpu.memref_slice %arg4[%dma_wait3A] : memref<10240xf32, #tpu.memory_space<vmem_shared>> -> memref<10240xf32, #tpu.memory_space<vmem_shared>>
        tpu.wait_indirect_dma semaphore(%run_scoped3A : memref<!tpu.dma_semaphore, #tpu.memory_space<semaphore_mem>>) src(%arg6 : memref<128xf32, #tpu.memory_space<vmem>>) dst(%dma_wait3A_64 : memref<10240xf32, #tpu.memory_space<vmem_shared>>)
        tpu.yield
      }) : () -> ()
      %while3A_62 = arith.constant 0 : i32
      scf.yield %while3A_62 : i32
    }
    %barrier3A_52 = arith.constant 0 : index
    tpu.barrier barrier_id(%barrier3A_52)
    %mul3A_53 = arith.constant 640 : i32
    %mul3A_54 = arith.muli %arg1, %mul3A_53 : i32
    %mul3A_55 = arith.constant 640 : i32
    %mul3A_56 = arith.muli %arg1, %mul3A_55 : i32
    "tpu.region"() ({
      %run_scoped3A = tpu.sem_alloc : memref<!tpu.dma_semaphore, #tpu.memory_space<semaphore_mem>>
      %dma_start3A = tpu.memref_slice %arg3[%arg0, %mul3A_56] : memref<2x10240xf32, #tpu.memory_space<hbm>> -> memref<1x640xf32, #tpu.memory_space<hbm>>
      %dma_start3A_57 = tpu.memref_squeeze %dma_start3A : memref<1x640xf32, #tpu.memory_space<hbm>> -> memref<640xf32, #tpu.memory_space<hbm>>
      %dma_start3A_58 = tpu.memref_slice %arg4[%mul3A_54] : memref<10240xf32, #tpu.memory_space<vmem_shared>> -> memref<640xf32, #tpu.memory_space<vmem_shared>>
      tpu.enqueue_dma source(%dma_start3A_58 : memref<640xf32, #tpu.memory_space<vmem_shared>>) target(%dma_start3A_57 : memref<640xf32, #tpu.memory_space<hbm>>) target_semaphore(%run_scoped3A : memref<!tpu.dma_semaphore, #tpu.memory_space<semaphore_mem>>)
      %dma_wait3A = tpu.memref_slice %arg3[%arg0, %mul3A_56] : memref<2x10240xf32, #tpu.memory_space<hbm>> -> memref<1x640xf32, #tpu.memory_space<hbm>>
      %dma_wait3A_59 = tpu.memref_squeeze %dma_wait3A : memref<1x640xf32, #tpu.memory_space<hbm>> -> memref<640xf32, #tpu.memory_space<hbm>>
      %dma_wait3A_60 = tpu.memref_slice %arg4[%mul3A_54] : memref<10240xf32, #tpu.memory_space<vmem_shared>> -> memref<640xf32, #tpu.memory_space<vmem_shared>>
      tpu.wait_dma2 semaphore(%run_scoped3A : memref<!tpu.dma_semaphore, #tpu.memory_space<semaphore_mem>>) src(%dma_wait3A_60 : memref<640xf32, #tpu.memory_space<vmem_shared>>) dst(%dma_wait3A_59 : memref<640xf32, #tpu.memory_space<hbm>>)
      tpu.yield
    }) : () -> ()
    return
  }
}

#map = affine_map<(d0, d1) -> (0, 0)>
#map1 = affine_map<(d0, d1) -> (0, 0, 0)>
module attributes {stable_mosaic.version = 14 : i64} {
  func.func @_agg_body(%arg0: i32, %arg1: i32, %arg2: memref<10000x128xf32, #tpu.memory_space<hbm>>, %arg3: memref<2500x128xi32, #tpu.memory_space<hbm>>, %arg4: memref<2500x128xi32, #tpu.memory_space<hbm>>, %arg5: memref<2x10240x128xf32, #tpu.memory_space<hbm>>, %arg6: memref<10240x128xf32, #tpu.memory_space<vmem_shared>>, %arg7: memref<128xi32, #tpu.memory_space<vmem>>, %arg8: memref<128xi32, #tpu.memory_space<vmem>>, %arg9: memref<128x128xf32, #tpu.memory_space<vmem>>, %arg10: memref<!tpu.dma_semaphore, #tpu.memory_space<semaphore_mem>>) attributes {dimension_semantics = [#tpu.dimension_semantics<core_parallel>, #tpu.dimension_semantics<subcore_parallel>], iteration_bounds = array<i64: 2, 16>, scalar_prefetch = 0 : i64, scratch_operands = 5 : i64, tpu.core_type = #tpu.core_type<sc_vector_subcore>, window_params = [{transform_indices = #map}, {transform_indices = #map}, {transform_indices = #map}, {transform_indices = #map1}]} {
    %mul3A = arith.constant 2 : i32
    %mul3A_0 = arith.muli %arg1, %mul3A : i32
    %add3A = arith.addi %mul3A_0, %arg0 : i32
    %broadcast_in_dim3A = arith.constant 0.000000e+00 : f32
    %broadcast_in_dim3A_1 = vector.broadcast %broadcast_in_dim3A : f32 to vector<16xf32>
    %scan3A = arith.constant 0 : i32
    %scan3A_2 = arith.constant 0 : i32
    %scan3A_3 = arith.constant 1024 : i32
    %scan3A_4 = arith.addi %scan3A_2, %scan3A_3 : i32
    %scan3A_5 = arith.constant 1 : i32
    %scan3A_6 = scf.for %scan3A_53 = %scan3A_2 to %scan3A_4 step %scan3A_5 iter_args(%scan3A_54 = %scan3A) -> (i32)  : i32 {
      %jit3A_55 = arith.constant 8 : i32
      %div3A_56 = arith.divsi %scan3A_53, %jit3A_55 : i32
      %sign3A_57 = arith.constant 0 : i32
      %sign3A_58 = arith.cmpi sgt, %scan3A_53, %sign3A_57 : i32
      %sign3A_59 = arith.extui %sign3A_58 : i1 to i32
      %sign3A_60 = arith.constant 0 : i32
      %sign3A_61 = arith.cmpi slt, %scan3A_53, %sign3A_60 : i32
      %sign3A_62 = arith.extui %sign3A_61 : i1 to i32
      %sign3A_63 = arith.subi %sign3A_59, %sign3A_62 : i32
      %sign3A_64 = arith.constant 0 : i32
      %sign3A_65 = arith.cmpi sgt, %jit3A_55, %sign3A_64 : i32
      %sign3A_66 = arith.extui %sign3A_65 : i1 to i32
      %sign3A_67 = arith.constant 0 : i32
      %sign3A_68 = arith.cmpi slt, %jit3A_55, %sign3A_67 : i32
      %sign3A_69 = arith.extui %sign3A_68 : i1 to i32
      %sign3A_70 = arith.subi %sign3A_66, %sign3A_69 : i32
      %ne3A_71 = arith.cmpi ne, %sign3A_63, %sign3A_70 : i32
      %rem3A_72 = arith.remsi %scan3A_53, %jit3A_55 : i32
      %ne3A_73 = arith.constant 0 : i32
      %ne3A_74 = arith.cmpi ne, %rem3A_72, %ne3A_73 : i32
      %and3A_75 = arith.andi %ne3A_71, %ne3A_74 : i1
      %sub3A_76 = arith.constant 1 : i32
      %sub3A_77 = arith.subi %div3A_56, %sub3A_76 : i32
      %select_n3A_78 = arith.select %and3A_75, %sub3A_77, %div3A_56 : i32
      %jit3A_79 = arith.constant 8 : i32
      %eq3A = arith.constant 0 : i32
      %eq3A_80 = arith.cmpi eq, %jit3A_79, %eq3A : i32
      %jit3A_81 = arith.constant 1 : i32
      %select_n3A_82 = arith.select %eq3A_80, %jit3A_81, %jit3A_79 : i32
      %rem3A_83 = arith.remsi %scan3A_53, %select_n3A_82 : i32
      %ne3A_84 = arith.constant 0 : i32
      %ne3A_85 = arith.cmpi ne, %rem3A_83, %ne3A_84 : i32
      %lt3A = arith.constant 0 : i32
      %lt3A_86 = arith.cmpi slt, %rem3A_83, %lt3A : i32
      %lt3A_87 = arith.constant 0 : i32
      %lt3A_88 = arith.cmpi slt, %select_n3A_82, %lt3A_87 : i32
      %ne3A_89 = arith.xori %lt3A_86, %lt3A_88 : i1
      %and3A_90 = arith.andi %ne3A_89, %ne3A_85 : i1
      %add3A_91 = arith.addi %rem3A_83, %select_n3A_82 : i32
      %select_n3A_92 = arith.select %and3A_90, %add3A_91, %rem3A_83 : i32
      %mul3A_93 = arith.constant 16 : i32
      %mul3A_94 = arith.muli %select_n3A_92, %mul3A_93 : i32
      %swap3A = arith.index_cast %select_n3A_78 : i32 to index
      %swap3A_95 = arith.index_cast %mul3A_94 : i32 to index
      %swap3A_96 = tpu.vector_load %arg9[%swap3A, %swap3A_95] {strides = array<i32>} : memref<128x128xf32, #tpu.memory_space<vmem>>, vector<1x16xf32>,
      %swap3A_97 = vector.shape_cast %swap3A_96 : vector<1x16xf32> to vector<16xf32>
      %swap3A_98 = vector.shape_cast %broadcast_in_dim3A_1 : vector<16xf32> to vector<1x16xf32>
      tpu.vector_store %arg9[%swap3A, %swap3A_95], %swap3A_98 {strides = array<i32>} : memref<128x128xf32, #tpu.memory_space<vmem>>, vector<1x16xf32>,
      %scan3A_99 = arith.constant 0 : i32
      scf.yield %scan3A_99 : i32
    }
    %scan3A_7 = arith.constant 1024 : i32
    %scan3A_8 = arith.constant 0 : i32
    %scan3A_9 = arith.constant 0 : i32
    %scan3A_10 = arith.constant 5 : i32
    %scan3A_11 = arith.addi %scan3A_9, %scan3A_10 : i32
    %scan3A_12 = arith.constant 1 : i32
    %scan3A_13 = scf.for %scan3A_53 = %scan3A_9 to %scan3A_11 step %scan3A_12 iter_args(%scan3A_54 = %scan3A_8) -> (i32)  : i32 {
      %mul3A_55 = arith.constant 640 : i32
      %mul3A_56 = arith.muli %arg1, %mul3A_55 : i32
      %mul3A_57 = arith.constant 128 : i32
      %mul3A_58 = arith.muli %scan3A_53, %mul3A_57 : i32
      %add3A_59 = arith.addi %mul3A_56, %mul3A_58 : i32
      "tpu.region"() ({
        %run_scoped3A = tpu.sem_alloc : memref<!tpu.dma_semaphore, #tpu.memory_space<semaphore_mem>>
        %dma_start3A = arith.constant 0 : i32
        %dma_start3A_61 = tpu.memref_slice %arg6[%add3A_59, %dma_start3A] : memref<10240x128xf32, #tpu.memory_space<vmem_shared>> -> memref<128x128xf32, #tpu.memory_space<vmem_shared>>
        %dma_start3A_62 = arith.constant 0 : i32
        %dma_start3A_63 = tpu.memref_slice %arg6[%add3A_59, %dma_start3A_62] : memref<10240x128xf32, #tpu.memory_space<vmem_shared>> -> memref<128x128xf32, #tpu.memory_space<vmem_shared>>
        tpu.enqueue_dma source(%arg9 : memref<128x128xf32, #tpu.memory_space<vmem>>) target(%dma_start3A_63 : memref<128x128xf32, #tpu.memory_space<vmem_shared>>) target_semaphore(%run_scoped3A : memref<!tpu.dma_semaphore, #tpu.memory_space<semaphore_mem>>)
        %dma_wait3A = arith.constant 0 : i32
        %dma_wait3A_64 = tpu.memref_slice %arg6[%add3A_59, %dma_wait3A] : memref<10240x128xf32, #tpu.memory_space<vmem_shared>> -> memref<128x128xf32, #tpu.memory_space<vmem_shared>>
        %dma_wait3A_65 = arith.constant 0 : i32
        %dma_wait3A_66 = tpu.memref_slice %arg6[%add3A_59, %dma_wait3A_65] : memref<10240x128xf32, #tpu.memory_space<vmem_shared>> -> memref<128x128xf32, #tpu.memory_space<vmem_shared>>
        tpu.wait_dma2 semaphore(%run_scoped3A : memref<!tpu.dma_semaphore, #tpu.memory_space<semaphore_mem>>) src(%arg9 : memref<128x128xf32, #tpu.memory_space<vmem>>) dst(%dma_wait3A_66 : memref<128x128xf32, #tpu.memory_space<vmem_shared>>)
        tpu.yield
      }) : () -> ()
      %scan3A_60 = arith.constant 0 : i32
      scf.yield %scan3A_60 : i32
    }
    %scan3A_14 = arith.constant 5 : i32
    %barrier3A = arith.constant 0 : index
    tpu.barrier barrier_id(%barrier3A)
    %sub3A = arith.constant 2500 : i32
    %sub3A_15 = arith.subi %sub3A, %add3A : i32
    %add3A_16 = arith.constant 32 : i32
    %add3A_17 = arith.addi %sub3A_15, %add3A_16 : i32
    %sub3A_18 = arith.constant 1 : i32
    %sub3A_19 = arith.subi %add3A_17, %sub3A_18 : i32
    %jit3A = arith.constant 32 : i32
    %div3A = arith.divsi %sub3A_19, %jit3A : i32
    %sign3A = arith.constant 0 : i32
    %sign3A_20 = arith.cmpi sgt, %sub3A_19, %sign3A : i32
    %sign3A_21 = arith.extui %sign3A_20 : i1 to i32
    %sign3A_22 = arith.constant 0 : i32
    %sign3A_23 = arith.cmpi slt, %sub3A_19, %sign3A_22 : i32
    %sign3A_24 = arith.extui %sign3A_23 : i1 to i32
    %sign3A_25 = arith.subi %sign3A_21, %sign3A_24 : i32
    %sign3A_26 = arith.constant 0 : i32
    %sign3A_27 = arith.cmpi sgt, %jit3A, %sign3A_26 : i32
    %sign3A_28 = arith.extui %sign3A_27 : i1 to i32
    %sign3A_29 = arith.constant 0 : i32
    %sign3A_30 = arith.cmpi slt, %jit3A, %sign3A_29 : i32
    %sign3A_31 = arith.extui %sign3A_30 : i1 to i32
    %sign3A_32 = arith.subi %sign3A_28, %sign3A_31 : i32
    %ne3A = arith.cmpi ne, %sign3A_25, %sign3A_32 : i32
    %rem3A = arith.remsi %sub3A_19, %jit3A : i32
    %ne3A_33 = arith.constant 0 : i32
    %ne3A_34 = arith.cmpi ne, %rem3A, %ne3A_33 : i32
    %and3A = arith.andi %ne3A, %ne3A_34 : i1
    %sub3A_35 = arith.constant 1 : i32
    %sub3A_36 = arith.subi %div3A, %sub3A_35 : i32
    %select_n3A = arith.select %and3A, %sub3A_36, %div3A : i32
    %while3A = arith.constant 0 : i32
    %while3A_37 = arith.constant 0 : i32
    %while3A_38 = arith.subi %select_n3A, %while3A : i32
    %while3A_39 = arith.addi %while3A, %while3A_38 : i32
    %while3A_40 = arith.constant 1 : i32
    %while3A_41 = arith.divsi %while3A_38, %while3A_40 : i32
    %while3A_42 = arith.muli %while3A_41, %while3A_40 : i32
    %while3A_43 = arith.addi %while3A, %while3A_42 : i32
    %while3A_44 = arith.constant 1 : i32
    %while3A_45 = scf.for %while3A_53 = %while3A to %while3A_43 step %while3A_44 iter_args(%while3A_54 = %while3A_37) -> (i32)  : i32 {
      %mul3A_55 = arith.constant 32 : i32
      %mul3A_56 = arith.muli %while3A_53, %mul3A_55 : i32
      %add3A_57 = arith.addi %add3A, %mul3A_56 : i32
      "tpu.region"() ({
        %run_scoped3A = tpu.sem_alloc : memref<!tpu.dma_semaphore, #tpu.memory_space<semaphore_mem>>
        %dma_start3A_63 = arith.constant 0 : i32
        %dma_start3A_64 = tpu.memref_slice %arg3[%add3A_57, %dma_start3A_63] : memref<2500x128xi32, #tpu.memory_space<hbm>> -> memref<1x128xi32, #tpu.memory_space<hbm>>
        %dma_start3A_65 = tpu.memref_squeeze %dma_start3A_64 : memref<1x128xi32, #tpu.memory_space<hbm>> -> memref<128xi32, #tpu.memory_space<hbm>>
        %dma_start3A_66 = arith.constant 0 : i32
        %dma_start3A_67 = tpu.memref_slice %arg3[%add3A_57, %dma_start3A_66] : memref<2500x128xi32, #tpu.memory_space<hbm>> -> memref<1x128xi32, #tpu.memory_space<hbm>>
        %dma_start3A_68 = tpu.memref_squeeze %dma_start3A_67 : memref<1x128xi32, #tpu.memory_space<hbm>> -> memref<128xi32, #tpu.memory_space<hbm>>
        tpu.enqueue_dma source(%dma_start3A_68 : memref<128xi32, #tpu.memory_space<hbm>>) target(%arg7 : memref<128xi32, #tpu.memory_space<vmem>>) target_semaphore(%run_scoped3A : memref<!tpu.dma_semaphore, #tpu.memory_space<semaphore_mem>>)
        %dma_wait3A_69 = arith.constant 0 : i32
        %dma_wait3A_70 = tpu.memref_slice %arg3[%add3A_57, %dma_wait3A_69] : memref<2500x128xi32, #tpu.memory_space<hbm>> -> memref<1x128xi32, #tpu.memory_space<hbm>>
        %dma_wait3A_71 = tpu.memref_squeeze %dma_wait3A_70 : memref<1x128xi32, #tpu.memory_space<hbm>> -> memref<128xi32, #tpu.memory_space<hbm>>
        %dma_wait3A_72 = arith.constant 0 : i32
        %dma_wait3A_73 = tpu.memref_slice %arg3[%add3A_57, %dma_wait3A_72] : memref<2500x128xi32, #tpu.memory_space<hbm>> -> memref<1x128xi32, #tpu.memory_space<hbm>>
        %dma_wait3A_74 = tpu.memref_squeeze %dma_wait3A_73 : memref<1x128xi32, #tpu.memory_space<hbm>> -> memref<128xi32, #tpu.memory_space<hbm>>
        tpu.wait_dma2 semaphore(%run_scoped3A : memref<!tpu.dma_semaphore, #tpu.memory_space<semaphore_mem>>) src(%dma_wait3A_74 : memref<128xi32, #tpu.memory_space<hbm>>) dst(%arg7 : memref<128xi32, #tpu.memory_space<vmem>>)
        tpu.yield
      }) : () -> ()
      "tpu.region"() ({
        %run_scoped3A = tpu.sem_alloc : memref<!tpu.dma_semaphore, #tpu.memory_space<semaphore_mem>>
        %dma_start3A_63 = arith.constant 0 : i32
        %dma_start3A_64 = tpu.memref_slice %arg4[%add3A_57, %dma_start3A_63] : memref<2500x128xi32, #tpu.memory_space<hbm>> -> memref<1x128xi32, #tpu.memory_space<hbm>>
        %dma_start3A_65 = tpu.memref_squeeze %dma_start3A_64 : memref<1x128xi32, #tpu.memory_space<hbm>> -> memref<128xi32, #tpu.memory_space<hbm>>
        %dma_start3A_66 = arith.constant 0 : i32
        %dma_start3A_67 = tpu.memref_slice %arg4[%add3A_57, %dma_start3A_66] : memref<2500x128xi32, #tpu.memory_space<hbm>> -> memref<1x128xi32, #tpu.memory_space<hbm>>
        %dma_start3A_68 = tpu.memref_squeeze %dma_start3A_67 : memref<1x128xi32, #tpu.memory_space<hbm>> -> memref<128xi32, #tpu.memory_space<hbm>>
        tpu.enqueue_dma source(%dma_start3A_68 : memref<128xi32, #tpu.memory_space<hbm>>) target(%arg8 : memref<128xi32, #tpu.memory_space<vmem>>) target_semaphore(%run_scoped3A : memref<!tpu.dma_semaphore, #tpu.memory_space<semaphore_mem>>)
        %dma_wait3A_69 = arith.constant 0 : i32
        %dma_wait3A_70 = tpu.memref_slice %arg4[%add3A_57, %dma_wait3A_69] : memref<2500x128xi32, #tpu.memory_space<hbm>> -> memref<1x128xi32, #tpu.memory_space<hbm>>
        %dma_wait3A_71 = tpu.memref_squeeze %dma_wait3A_70 : memref<1x128xi32, #tpu.memory_space<hbm>> -> memref<128xi32, #tpu.memory_space<hbm>>
        %dma_wait3A_72 = arith.constant 0 : i32
        %dma_wait3A_73 = tpu.memref_slice %arg4[%add3A_57, %dma_wait3A_72] : memref<2500x128xi32, #tpu.memory_space<hbm>> -> memref<1x128xi32, #tpu.memory_space<hbm>>
        %dma_wait3A_74 = tpu.memref_squeeze %dma_wait3A_73 : memref<1x128xi32, #tpu.memory_space<hbm>> -> memref<128xi32, #tpu.memory_space<hbm>>
        tpu.wait_dma2 semaphore(%run_scoped3A : memref<!tpu.dma_semaphore, #tpu.memory_space<semaphore_mem>>) src(%dma_wait3A_74 : memref<128xi32, #tpu.memory_space<hbm>>) dst(%arg8 : memref<128xi32, #tpu.memory_space<vmem>>)
        tpu.yield
      }) : () -> ()
      %dma_start3A = arith.constant 0 : i32
      %dma_start3A_58 = arith.constant 0 : i32
      %dma_start3A_59 = tpu.memref_slice %arg2[%dma_start3A, %dma_start3A_58] : memref<10000x128xf32, #tpu.memory_space<hbm>> -> memref<10000x128xf32, #tpu.memory_space<hbm>>
      tpu.enqueue_indirect_dma source(%dma_start3A_59 : memref<10000x128xf32, #tpu.memory_space<hbm>>) target(%arg9 : memref<128x128xf32, #tpu.memory_space<vmem>>) offsets(%arg7 : memref<128xi32, #tpu.memory_space<vmem>>) semaphore(%arg10 : memref<!tpu.dma_semaphore, #tpu.memory_space<semaphore_mem>>)
      %dma_wait3A = arith.constant 0 : i32
      %dma_wait3A_60 = arith.constant 0 : i32
      %dma_wait3A_61 = tpu.memref_slice %arg2[%dma_wait3A, %dma_wait3A_60] : memref<10000x128xf32, #tpu.memory_space<hbm>> -> memref<10000x128xf32, #tpu.memory_space<hbm>>
      tpu.wait_indirect_dma semaphore(%arg10 : memref<!tpu.dma_semaphore, #tpu.memory_space<semaphore_mem>>) src(%dma_wait3A_61 : memref<10000x128xf32, #tpu.memory_space<hbm>>) dst(%arg9 : memref<128x128xf32, #tpu.memory_space<vmem>>)
      "tpu.region"() ({
        %run_scoped3A = tpu.sem_alloc : memref<!tpu.dma_semaphore, #tpu.memory_space<semaphore_mem>>
        %dma_start3A_63 = arith.constant 0 : i32
        %dma_start3A_64 = arith.constant 0 : i32
        %dma_start3A_65 = tpu.memref_slice %arg6[%dma_start3A_63, %dma_start3A_64] : memref<10240x128xf32, #tpu.memory_space<vmem_shared>> -> memref<10240x128xf32, #tpu.memory_space<vmem_shared>>
        tpu.enqueue_indirect_dma source(%arg9 : memref<128x128xf32, #tpu.memory_space<vmem>>) target(%dma_start3A_65 : memref<10240x128xf32, #tpu.memory_space<vmem_shared>>) offsets(%arg8 : memref<128xi32, #tpu.memory_space<vmem>>) semaphore(%run_scoped3A : memref<!tpu.dma_semaphore, #tpu.memory_space<semaphore_mem>>) {add = true}
        %dma_wait3A_66 = arith.constant 0 : i32
        %dma_wait3A_67 = arith.constant 0 : i32
        %dma_wait3A_68 = tpu.memref_slice %arg6[%dma_wait3A_66, %dma_wait3A_67] : memref<10240x128xf32, #tpu.memory_space<vmem_shared>> -> memref<10240x128xf32, #tpu.memory_space<vmem_shared>>
        tpu.wait_indirect_dma semaphore(%run_scoped3A : memref<!tpu.dma_semaphore, #tpu.memory_space<semaphore_mem>>) src(%arg9 : memref<128x128xf32, #tpu.memory_space<vmem>>) dst(%dma_wait3A_68 : memref<10240x128xf32, #tpu.memory_space<vmem_shared>>)
        tpu.yield
      }) : () -> ()
      %while3A_62 = arith.constant 0 : i32
      scf.yield %while3A_62 : i32
    }
    %while3A_46 = arith.constant 1 : i32
    %while3A_47 = scf.for %while3A_53 = %while3A_43 to %while3A_39 step %while3A_46 iter_args(%while3A_54 = %while3A_45) -> (i32)  : i32 {
      %mul3A_55 = arith.constant 32 : i32
      %mul3A_56 = arith.muli %while3A_53, %mul3A_55 : i32
      %add3A_57 = arith.addi %add3A, %mul3A_56 : i32
      "tpu.region"() ({
        %run_scoped3A = tpu.sem_alloc : memref<!tpu.dma_semaphore, #tpu.memory_space<semaphore_mem>>
        %dma_start3A_63 = arith.constant 0 : i32
        %dma_start3A_64 = tpu.memref_slice %arg3[%add3A_57, %dma_start3A_63] : memref<2500x128xi32, #tpu.memory_space<hbm>> -> memref<1x128xi32, #tpu.memory_space<hbm>>
        %dma_start3A_65 = tpu.memref_squeeze %dma_start3A_64 : memref<1x128xi32, #tpu.memory_space<hbm>> -> memref<128xi32, #tpu.memory_space<hbm>>
        %dma_start3A_66 = arith.constant 0 : i32
        %dma_start3A_67 = tpu.memref_slice %arg3[%add3A_57, %dma_start3A_66] : memref<2500x128xi32, #tpu.memory_space<hbm>> -> memref<1x128xi32, #tpu.memory_space<hbm>>
        %dma_start3A_68 = tpu.memref_squeeze %dma_start3A_67 : memref<1x128xi32, #tpu.memory_space<hbm>> -> memref<128xi32, #tpu.memory_space<hbm>>
        tpu.enqueue_dma source(%dma_start3A_68 : memref<128xi32, #tpu.memory_space<hbm>>) target(%arg7 : memref<128xi32, #tpu.memory_space<vmem>>) target_semaphore(%run_scoped3A : memref<!tpu.dma_semaphore, #tpu.memory_space<semaphore_mem>>)
        %dma_wait3A_69 = arith.constant 0 : i32
        %dma_wait3A_70 = tpu.memref_slice %arg3[%add3A_57, %dma_wait3A_69] : memref<2500x128xi32, #tpu.memory_space<hbm>> -> memref<1x128xi32, #tpu.memory_space<hbm>>
        %dma_wait3A_71 = tpu.memref_squeeze %dma_wait3A_70 : memref<1x128xi32, #tpu.memory_space<hbm>> -> memref<128xi32, #tpu.memory_space<hbm>>
        %dma_wait3A_72 = arith.constant 0 : i32
        %dma_wait3A_73 = tpu.memref_slice %arg3[%add3A_57, %dma_wait3A_72] : memref<2500x128xi32, #tpu.memory_space<hbm>> -> memref<1x128xi32, #tpu.memory_space<hbm>>
        %dma_wait3A_74 = tpu.memref_squeeze %dma_wait3A_73 : memref<1x128xi32, #tpu.memory_space<hbm>> -> memref<128xi32, #tpu.memory_space<hbm>>
        tpu.wait_dma2 semaphore(%run_scoped3A : memref<!tpu.dma_semaphore, #tpu.memory_space<semaphore_mem>>) src(%dma_wait3A_74 : memref<128xi32, #tpu.memory_space<hbm>>) dst(%arg7 : memref<128xi32, #tpu.memory_space<vmem>>)
        tpu.yield
      }) : () -> ()
      "tpu.region"() ({
        %run_scoped3A = tpu.sem_alloc : memref<!tpu.dma_semaphore, #tpu.memory_space<semaphore_mem>>
        %dma_start3A_63 = arith.constant 0 : i32
        %dma_start3A_64 = tpu.memref_slice %arg4[%add3A_57, %dma_start3A_63] : memref<2500x128xi32, #tpu.memory_space<hbm>> -> memref<1x128xi32, #tpu.memory_space<hbm>>
        %dma_start3A_65 = tpu.memref_squeeze %dma_start3A_64 : memref<1x128xi32, #tpu.memory_space<hbm>> -> memref<128xi32, #tpu.memory_space<hbm>>
        %dma_start3A_66 = arith.constant 0 : i32
        %dma_start3A_67 = tpu.memref_slice %arg4[%add3A_57, %dma_start3A_66] : memref<2500x128xi32, #tpu.memory_space<hbm>> -> memref<1x128xi32, #tpu.memory_space<hbm>>
        %dma_start3A_68 = tpu.memref_squeeze %dma_start3A_67 : memref<1x128xi32, #tpu.memory_space<hbm>> -> memref<128xi32, #tpu.memory_space<hbm>>
        tpu.enqueue_dma source(%dma_start3A_68 : memref<128xi32, #tpu.memory_space<hbm>>) target(%arg8 : memref<128xi32, #tpu.memory_space<vmem>>) target_semaphore(%run_scoped3A : memref<!tpu.dma_semaphore, #tpu.memory_space<semaphore_mem>>)
        %dma_wait3A_69 = arith.constant 0 : i32
        %dma_wait3A_70 = tpu.memref_slice %arg4[%add3A_57, %dma_wait3A_69] : memref<2500x128xi32, #tpu.memory_space<hbm>> -> memref<1x128xi32, #tpu.memory_space<hbm>>
        %dma_wait3A_71 = tpu.memref_squeeze %dma_wait3A_70 : memref<1x128xi32, #tpu.memory_space<hbm>> -> memref<128xi32, #tpu.memory_space<hbm>>
        %dma_wait3A_72 = arith.constant 0 : i32
        %dma_wait3A_73 = tpu.memref_slice %arg4[%add3A_57, %dma_wait3A_72] : memref<2500x128xi32, #tpu.memory_space<hbm>> -> memref<1x128xi32, #tpu.memory_space<hbm>>
        %dma_wait3A_74 = tpu.memref_squeeze %dma_wait3A_73 : memref<1x128xi32, #tpu.memory_space<hbm>> -> memref<128xi32, #tpu.memory_space<hbm>>
        tpu.wait_dma2 semaphore(%run_scoped3A : memref<!tpu.dma_semaphore, #tpu.memory_space<semaphore_mem>>) src(%dma_wait3A_74 : memref<128xi32, #tpu.memory_space<hbm>>) dst(%arg8 : memref<128xi32, #tpu.memory_space<vmem>>)
        tpu.yield
      }) : () -> ()
      %dma_start3A = arith.constant 0 : i32
      %dma_start3A_58 = arith.constant 0 : i32
      %dma_start3A_59 = tpu.memref_slice %arg2[%dma_start3A, %dma_start3A_58] : memref<10000x128xf32, #tpu.memory_space<hbm>> -> memref<10000x128xf32, #tpu.memory_space<hbm>>
      tpu.enqueue_indirect_dma source(%dma_start3A_59 : memref<10000x128xf32, #tpu.memory_space<hbm>>) target(%arg9 : memref<128x128xf32, #tpu.memory_space<vmem>>) offsets(%arg7 : memref<128xi32, #tpu.memory_space<vmem>>) semaphore(%arg10 : memref<!tpu.dma_semaphore, #tpu.memory_space<semaphore_mem>>)
      %dma_wait3A = arith.constant 0 : i32
      %dma_wait3A_60 = arith.constant 0 : i32
      %dma_wait3A_61 = tpu.memref_slice %arg2[%dma_wait3A, %dma_wait3A_60] : memref<10000x128xf32, #tpu.memory_space<hbm>> -> memref<10000x128xf32, #tpu.memory_space<hbm>>
      tpu.wait_indirect_dma semaphore(%arg10 : memref<!tpu.dma_semaphore, #tpu.memory_space<semaphore_mem>>) src(%dma_wait3A_61 : memref<10000x128xf32, #tpu.memory_space<hbm>>) dst(%arg9 : memref<128x128xf32, #tpu.memory_space<vmem>>)
      "tpu.region"() ({
        %run_scoped3A = tpu.sem_alloc : memref<!tpu.dma_semaphore, #tpu.memory_space<semaphore_mem>>
        %dma_start3A_63 = arith.constant 0 : i32
        %dma_start3A_64 = arith.constant 0 : i32
        %dma_start3A_65 = tpu.memref_slice %arg6[%dma_start3A_63, %dma_start3A_64] : memref<10240x128xf32, #tpu.memory_space<vmem_shared>> -> memref<10240x128xf32, #tpu.memory_space<vmem_shared>>
        tpu.enqueue_indirect_dma source(%arg9 : memref<128x128xf32, #tpu.memory_space<vmem>>) target(%dma_start3A_65 : memref<10240x128xf32, #tpu.memory_space<vmem_shared>>) offsets(%arg8 : memref<128xi32, #tpu.memory_space<vmem>>) semaphore(%run_scoped3A : memref<!tpu.dma_semaphore, #tpu.memory_space<semaphore_mem>>) {add = true}
        %dma_wait3A_66 = arith.constant 0 : i32
        %dma_wait3A_67 = arith.constant 0 : i32
        %dma_wait3A_68 = tpu.memref_slice %arg6[%dma_wait3A_66, %dma_wait3A_67] : memref<10240x128xf32, #tpu.memory_space<vmem_shared>> -> memref<10240x128xf32, #tpu.memory_space<vmem_shared>>
        tpu.wait_indirect_dma semaphore(%run_scoped3A : memref<!tpu.dma_semaphore, #tpu.memory_space<semaphore_mem>>) src(%arg9 : memref<128x128xf32, #tpu.memory_space<vmem>>) dst(%dma_wait3A_68 : memref<10240x128xf32, #tpu.memory_space<vmem_shared>>)
        tpu.yield
      }) : () -> ()
      %while3A_62 = arith.constant 0 : i32
      scf.yield %while3A_62 : i32
    }
    %barrier3A_48 = arith.constant 0 : index
    tpu.barrier barrier_id(%barrier3A_48)
    %mul3A_49 = arith.constant 640 : i32
    %mul3A_50 = arith.muli %arg1, %mul3A_49 : i32
    %mul3A_51 = arith.constant 640 : i32
    %mul3A_52 = arith.muli %arg1, %mul3A_51 : i32
    "tpu.region"() ({
      %run_scoped3A = tpu.sem_alloc : memref<!tpu.dma_semaphore, #tpu.memory_space<semaphore_mem>>
      %dma_start3A = arith.constant 0 : i32
      %dma_start3A_53 = tpu.memref_slice %arg5[%arg0, %mul3A_52, %dma_start3A] : memref<2x10240x128xf32, #tpu.memory_space<hbm>> -> memref<1x640x128xf32, #tpu.memory_space<hbm>>
      %dma_start3A_54 = tpu.memref_squeeze %dma_start3A_53 : memref<1x640x128xf32, #tpu.memory_space<hbm>> -> memref<640x128xf32, #tpu.memory_space<hbm>>
      %dma_start3A_55 = arith.constant 0 : i32
      %dma_start3A_56 = tpu.memref_slice %arg6[%mul3A_50, %dma_start3A_55] : memref<10240x128xf32, #tpu.memory_space<vmem_shared>> -> memref<640x128xf32, #tpu.memory_space<vmem_shared>>
      tpu.enqueue_dma source(%dma_start3A_56 : memref<640x128xf32, #tpu.memory_space<vmem_shared>>) target(%dma_start3A_54 : memref<640x128xf32, #tpu.memory_space<hbm>>) target_semaphore(%run_scoped3A : memref<!tpu.dma_semaphore, #tpu.memory_space<semaphore_mem>>)
      %dma_wait3A = arith.constant 0 : i32
      %dma_wait3A_57 = tpu.memref_slice %arg5[%arg0, %mul3A_52, %dma_wait3A] : memref<2x10240x128xf32, #tpu.memory_space<hbm>> -> memref<1x640x128xf32, #tpu.memory_space<hbm>>
      %dma_wait3A_58 = tpu.memref_squeeze %dma_wait3A_57 : memref<1x640x128xf32, #tpu.memory_space<hbm>> -> memref<640x128xf32, #tpu.memory_space<hbm>>
      %dma_wait3A_59 = arith.constant 0 : i32
      %dma_wait3A_60 = tpu.memref_slice %arg6[%mul3A_50, %dma_wait3A_59] : memref<10240x128xf32, #tpu.memory_space<vmem_shared>> -> memref<640x128xf32, #tpu.memory_space<vmem_shared>>
      tpu.wait_dma2 semaphore(%run_scoped3A : memref<!tpu.dma_semaphore, #tpu.memory_space<semaphore_mem>>) src(%dma_wait3A_60 : memref<640x128xf32, #tpu.memory_space<vmem_shared>>) dst(%dma_wait3A_58 : memref<640x128xf32, #tpu.memory_space<hbm>>)
      tpu.yield
    }) : () -> ()
    return
  }
}

module attributes {stable_mosaic.version = 14 : i64} {
  func.func @_tc1(%arg0: memref<10000x128xf32, #tpu.memory_space<vmem>>, %arg1: memref<128x128xf32, #tpu.memory_space<vmem>>, %arg2: memref<2x10240xf32, #tpu.memory_space<vmem>>, %arg3: memref<10000x128xf32, #tpu.memory_space<vmem>>, %arg4: memref<10000xf32, #tpu.memory_space<vmem>>) attributes {dimension_semantics = [], scalar_prefetch = 0 : i64, scratch_operands = 0 : i64, tpu.core_type = #tpu.core_type<tc>} {
    %get3A = arith.constant 0 : index
    %get3A_0 = arith.constant 0 : index
    %get3A_1 = vector.load %arg2[%get3A, %get3A_0] : memref<2x10240xf32, #tpu.memory_space<vmem>>, vector<1x10000xf32>
    %get3A_2 = vector.shape_cast %get3A_1 : vector<1x10000xf32> to vector<10000xf32>
    %get3A_3 = arith.constant 1 : index
    %get3A_4 = arith.constant 0 : index
    %get3A_5 = vector.load %arg2[%get3A_3, %get3A_4] : memref<2x10240xf32, #tpu.memory_space<vmem>>, vector<1x10000xf32>
    %get3A_6 = vector.shape_cast %get3A_5 : vector<1x10000xf32> to vector<10000xf32>
    %add3A = arith.addf %get3A_2, %get3A_6 : vector<10000xf32>
    %add3A_7 = arith.constant 1.000000e+00 : f32
    %add3A_8 = vector.broadcast %add3A_7 : f32 to vector<10000xf32>
    %add3A_9 = arith.addf %add3A, %add3A_8 : vector<10000xf32>
    %rsqrt3A = math.rsqrt %add3A_9 : vector<10000xf32>
    %swap3A = arith.constant 0 : index
    %swap3A_10 = vector.load %arg4[%swap3A] : memref<10000xf32, #tpu.memory_space<vmem>>, vector<10000xf32>
    tpu.vector_store %arg4[%swap3A], %rsqrt3A {strides = array<i32>} : memref<10000xf32, #tpu.memory_space<vmem>>, vector<10000xf32>,
    %get3A_11 = arith.constant 0 : index
    %get3A_12 = arith.constant 0 : index
    %get3A_13 = vector.load %arg0[%get3A_11, %get3A_12] : memref<10000x128xf32, #tpu.memory_space<vmem>>, vector<10000x128xf32>
    %get3A_14 = arith.constant 0 : index
    %get3A_15 = arith.constant 0 : index
    %get3A_16 = vector.load %arg1[%get3A_14, %get3A_15] : memref<128x128xf32, #tpu.memory_space<vmem>>, vector<128x128xf32>
    %dot_general3A = arith.constant dense<0.000000e+00> : vector<10000x128xf32>
    %dot_general3A_17 = tpu.matmul %get3A_13, %get3A_16, %dot_general3A {dimension_numbers = #tpu.dot_dimension_numbers<[1], [0], [0], [1], [0, 0, 1, 1], [], []>, transpose_lhs_hint = false} : vector<10000x128xf32>, vector<128x128xf32>, vector<10000x128xf32> -> vector<10000x128xf32>
    %broadcast_in_dim3A = vector.shape_cast %rsqrt3A : vector<10000xf32> to vector<10000x1xf32>
    %mul3A = vector.broadcast %broadcast_in_dim3A : vector<10000x1xf32> to vector<10000x128xf32>
    %mul3A_18 = arith.mulf %dot_general3A_17, %mul3A : vector<10000x128xf32>
    %swap3A_19 = arith.constant 0 : index
    %swap3A_20 = arith.constant 0 : index
    %swap3A_21 = vector.load %arg3[%swap3A_19, %swap3A_20] : memref<10000x128xf32, #tpu.memory_space<vmem>>, vector<10000x128xf32>
    tpu.vector_store %arg3[%swap3A_19, %swap3A_20], %mul3A_18 {strides = array<i32>} : memref<10000x128xf32, #tpu.memory_space<vmem>>, vector<10000x128xf32>,
    return
  }
}

module attributes {stable_mosaic.version = 14 : i64} {
  func.func @_tc2(%arg0: memref<2x10240x128xf32, #tpu.memory_space<vmem>>, %arg1: memref<10000x128xf32, #tpu.memory_space<vmem>>, %arg2: memref<10000xf32, #tpu.memory_space<vmem>>, %arg3: memref<128xf32, #tpu.memory_space<vmem>>, %arg4: memref<128x128xf32, #tpu.memory_space<vmem>>, %arg5: memref<10000x128xf32, #tpu.memory_space<vmem>>) attributes {dimension_semantics = [], scalar_prefetch = 0 : i64, scratch_operands = 0 : i64, tpu.core_type = #tpu.core_type<tc>} {
    %get3A = arith.constant 0 : index
    %get3A_0 = vector.load %arg2[%get3A] : memref<10000xf32, #tpu.memory_space<vmem>>, vector<10000xf32>
    %get3A_1 = arith.constant 0 : index
    %get3A_2 = arith.constant 0 : index
    %get3A_3 = arith.constant 0 : index
    %get3A_4 = vector.load %arg0[%get3A_1, %get3A_2, %get3A_3] : memref<2x10240x128xf32, #tpu.memory_space<vmem>>, vector<1x10000x128xf32>
    %get3A_5 = vector.shape_cast %get3A_4 : vector<1x10000x128xf32> to vector<10000x128xf32>
    %get3A_6 = arith.constant 1 : index
    %get3A_7 = arith.constant 0 : index
    %get3A_8 = arith.constant 0 : index
    %get3A_9 = vector.load %arg0[%get3A_6, %get3A_7, %get3A_8] : memref<2x10240x128xf32, #tpu.memory_space<vmem>>, vector<1x10000x128xf32>
    %get3A_10 = vector.shape_cast %get3A_9 : vector<1x10000x128xf32> to vector<10000x128xf32>
    %add3A = arith.addf %get3A_5, %get3A_10 : vector<10000x128xf32>
    %get3A_11 = arith.constant 0 : index
    %get3A_12 = arith.constant 0 : index
    %get3A_13 = vector.load %arg1[%get3A_11, %get3A_12] : memref<10000x128xf32, #tpu.memory_space<vmem>>, vector<10000x128xf32>
    %add3A_14 = arith.addf %add3A, %get3A_13 : vector<10000x128xf32>
    %broadcast_in_dim3A = vector.shape_cast %get3A_0 : vector<10000xf32> to vector<10000x1xf32>
    %mul3A = vector.broadcast %broadcast_in_dim3A : vector<10000x1xf32> to vector<10000x128xf32>
    %mul3A_15 = arith.mulf %add3A_14, %mul3A : vector<10000x128xf32>
    %get3A_16 = arith.constant 0 : index
    %get3A_17 = vector.load %arg3[%get3A_16] : memref<128xf32, #tpu.memory_space<vmem>>, vector<128xf32>
    %broadcast_in_dim3A_18 = vector.shape_cast %get3A_17 : vector<128xf32> to vector<1x128xf32>
    %add3A_19 = vector.broadcast %broadcast_in_dim3A_18 : vector<1x128xf32> to vector<10000x128xf32>
    %add3A_20 = arith.addf %mul3A_15, %add3A_19 : vector<10000x128xf32>
    %max3A = arith.constant 0.000000e+00 : f32
    %max3A_21 = vector.broadcast %max3A : f32 to vector<10000x128xf32>
    %max3A_22 = arith.maximumf %add3A_20, %max3A_21 : vector<10000x128xf32>
    %get3A_23 = arith.constant 0 : index
    %get3A_24 = arith.constant 0 : index
    %get3A_25 = vector.load %arg4[%get3A_23, %get3A_24] : memref<128x128xf32, #tpu.memory_space<vmem>>, vector<128x128xf32>
    %dot_general3A = arith.constant dense<0.000000e+00> : vector<10000x128xf32>
    %dot_general3A_26 = tpu.matmul %max3A_22, %get3A_25, %dot_general3A {dimension_numbers = #tpu.dot_dimension_numbers<[1], [0], [0], [1], [0, 0, 1, 1], [], []>, transpose_lhs_hint = false} : vector<10000x128xf32>, vector<128x128xf32>, vector<10000x128xf32> -> vector<10000x128xf32>
    %broadcast_in_dim3A_27 = vector.shape_cast %get3A_0 : vector<10000xf32> to vector<10000x1xf32>
    %mul3A_28 = vector.broadcast %broadcast_in_dim3A_27 : vector<10000x1xf32> to vector<10000x128xf32>
    %mul3A_29 = arith.mulf %dot_general3A_26, %mul3A_28 : vector<10000x128xf32>
    %swap3A = arith.constant 0 : index
    %swap3A_30 = arith.constant 0 : index
    %swap3A_31 = vector.load %arg5[%swap3A, %swap3A_30] : memref<10000x128xf32, #tpu.memory_space<vmem>>, vector<10000x128xf32>
    tpu.vector_store %arg5[%swap3A, %swap3A_30], %mul3A_29 {strides = array<i32>} : memref<10000x128xf32, #tpu.memory_space<vmem>>, vector<10000x128xf32>,
    return
  }
}

module attributes {stable_mosaic.version = 14 : i64} {
  func.func @_tc3(%arg0: memref<2x10240x128xf32, #tpu.memory_space<vmem>>, %arg1: memref<10000x128xf32, #tpu.memory_space<vmem>>, %arg2: memref<10000xf32, #tpu.memory_space<vmem>>, %arg3: memref<128xf32, #tpu.memory_space<vmem>>, %arg4: memref<10000xi32, #tpu.memory_space<vmem>>, %arg5: memref<128x2xf32, #tpu.memory_space<vmem>>, %arg6: memref<2xf32, #tpu.memory_space<vmem>>, %arg7: memref<64x2xf32, #tpu.memory_space<vmem>>) attributes {dimension_semantics = [], scalar_prefetch = 0 : i64, scratch_operands = 0 : i64, tpu.core_type = #tpu.core_type<tc>} {
    %get3A = arith.constant 0 : index
    %get3A_0 = vector.load %arg2[%get3A] : memref<10000xf32, #tpu.memory_space<vmem>>, vector<10000xf32>
    %get3A_1 = arith.constant 0 : index
    %get3A_2 = arith.constant 0 : index
    %get3A_3 = arith.constant 0 : index
    %get3A_4 = vector.load %arg0[%get3A_1, %get3A_2, %get3A_3] : memref<2x10240x128xf32, #tpu.memory_space<vmem>>, vector<1x10000x128xf32>
    %get3A_5 = vector.shape_cast %get3A_4 : vector<1x10000x128xf32> to vector<10000x128xf32>
    %get3A_6 = arith.constant 1 : index
    %get3A_7 = arith.constant 0 : index
    %get3A_8 = arith.constant 0 : index
    %get3A_9 = vector.load %arg0[%get3A_6, %get3A_7, %get3A_8] : memref<2x10240x128xf32, #tpu.memory_space<vmem>>, vector<1x10000x128xf32>
    %get3A_10 = vector.shape_cast %get3A_9 : vector<1x10000x128xf32> to vector<10000x128xf32>
    %add3A = arith.addf %get3A_5, %get3A_10 : vector<10000x128xf32>
    %get3A_11 = arith.constant 0 : index
    %get3A_12 = arith.constant 0 : index
    %get3A_13 = vector.load %arg1[%get3A_11, %get3A_12] : memref<10000x128xf32, #tpu.memory_space<vmem>>, vector<10000x128xf32>
    %add3A_14 = arith.addf %add3A, %get3A_13 : vector<10000x128xf32>
    %broadcast_in_dim3A = vector.shape_cast %get3A_0 : vector<10000xf32> to vector<10000x1xf32>
    %mul3A = vector.broadcast %broadcast_in_dim3A : vector<10000x1xf32> to vector<10000x128xf32>
    %mul3A_15 = arith.mulf %add3A_14, %mul3A : vector<10000x128xf32>
    %get3A_16 = arith.constant 0 : index
    %get3A_17 = vector.load %arg3[%get3A_16] : memref<128xf32, #tpu.memory_space<vmem>>, vector<128xf32>
    %broadcast_in_dim3A_18 = vector.shape_cast %get3A_17 : vector<128xf32> to vector<1x128xf32>
    %add3A_19 = vector.broadcast %broadcast_in_dim3A_18 : vector<1x128xf32> to vector<10000x128xf32>
    %add3A_20 = arith.addf %mul3A_15, %add3A_19 : vector<10000x128xf32>
    %max3A = arith.constant 0.000000e+00 : f32
    %max3A_21 = vector.broadcast %max3A : f32 to vector<10000x128xf32>
    %max3A_22 = arith.maximumf %add3A_20, %max3A_21 : vector<10000x128xf32>
    %iota3A = tpu.iota {dimensions = array<i32: 0>} : vector<64x10000xi32>
    %get3A_23 = arith.constant 0 : index
    %get3A_24 = vector.load %arg4[%get3A_23] : memref<10000xi32, #tpu.memory_space<vmem>>, vector<10000xi32>
    %broadcast_in_dim3A_25 = vector.shape_cast %get3A_24 : vector<10000xi32> to vector<1x10000xi32>
    %eq3A = vector.broadcast %broadcast_in_dim3A_25 : vector<1x10000xi32> to vector<64x10000xi32>
    %eq3A_26 = arith.cmpi eq, %iota3A, %eq3A : vector<64x10000xi32>
    %convert_element_type3A = arith.extui %eq3A_26 : vector<64x10000xi1> to vector<64x10000xi32>
    %convert_element_type3A_27 = arith.sitofp %convert_element_type3A : vector<64x10000xi32> to vector<64x10000xf32>
    %dot_general3A = arith.constant dense<0.000000e+00> : vector<64x128xf32>
    %dot_general3A_28 = tpu.matmul %convert_element_type3A_27, %max3A_22, %dot_general3A {dimension_numbers = #tpu.dot_dimension_numbers<[1], [0], [0], [1], [0, 0, 1, 1], [], []>, transpose_lhs_hint = false} : vector<64x10000xf32>, vector<10000x128xf32>, vector<64x128xf32> -> vector<64x128xf32>
    %reduce_sum3A = arith.constant dense<0.000000e+00> : vector<64xf32>
    %reduce_sum3A_29 = vector.multi_reduction <add>, %convert_element_type3A_27, %reduce_sum3A [1] : vector<64x10000xf32> to vector<64xf32>
    %broadcast_in_dim3A_30 = vector.shape_cast %reduce_sum3A_29 : vector<64xf32> to vector<64x1xf32>
    %max3A_31 = arith.constant 1.000000e+00 : f32
    %max3A_32 = vector.broadcast %max3A_31 : f32 to vector<64x1xf32>
    %max3A_33 = arith.maximumf %broadcast_in_dim3A_30, %max3A_32 : vector<64x1xf32>
    %div3A = vector.broadcast %max3A_33 : vector<64x1xf32> to vector<64x128xf32>
    %div3A_34 = arith.divf %dot_general3A_28, %div3A : vector<64x128xf32>
    %get3A_35 = arith.constant 0 : index
    %get3A_36 = arith.constant 0 : index
    %get3A_37 = vector.load %arg5[%get3A_35, %get3A_36] : memref<128x2xf32, #tpu.memory_space<vmem>>, vector<128x2xf32>
    %dot_general3A_38 = arith.constant dense<0.000000e+00> : vector<64x2xf32>
    %dot_general3A_39 = tpu.matmul %div3A_34, %get3A_37, %dot_general3A_38 {dimension_numbers = #tpu.dot_dimension_numbers<[1], [0], [0], [1], [0, 0, 1, 1], [], []>, transpose_lhs_hint = false} : vector<64x128xf32>, vector<128x2xf32>, vector<64x2xf32> -> vector<64x2xf32>
    %get3A_40 = arith.constant 0 : index
    %get3A_41 = vector.load %arg6[%get3A_40] : memref<2xf32, #tpu.memory_space<vmem>>, vector<2xf32>
    %broadcast_in_dim3A_42 = vector.shape_cast %get3A_41 : vector<2xf32> to vector<1x2xf32>
    %add3A_43 = vector.broadcast %broadcast_in_dim3A_42 : vector<1x2xf32> to vector<64x2xf32>
    %add3A_44 = arith.addf %dot_general3A_39, %add3A_43 : vector<64x2xf32>
    %swap3A = arith.constant 0 : index
    %swap3A_45 = arith.constant 0 : index
    %swap3A_46 = vector.load %arg7[%swap3A, %swap3A_45] : memref<64x2xf32, #tpu.memory_space<vmem>>, vector<64x2xf32>
    tpu.vector_store %arg7[%swap3A, %swap3A_45], %add3A_44 {strides = array<i32>} : memref<64x2xf32, #tpu.memory_space<vmem>>, vector<64x2xf32>,
    return
  }
}

</mosaic_0001>

<sc_bundles>
// kernel: kernel.11.cloned.1.call-start
scs
__scs_entry_jumppad:
0x0: {  	(pc) =	sbr.rel $0x88, $3  }
0x1: {  	(tag) =	ssettag $0x0;
	lr =	simm.s32 $0x1  }
0x2: {  	[smem:$0x3F98] =	sst lr;
	_ =	strace $0xD0000000  }
0x3: {  	_ = 	snop  }
0x4: {  	_ = 	snop  }
0x5: {  	_ = 	snop  }
0x6: {  	_ = 	snop  }
0x7: {  	_ = 	snop  }
__scs_overlays_trampoline_lowered:
0x8: {  	[smem:$0x3FA7] =	sst s0  }
0x9: {  	[smem:$0x3FA8] =	sst s1  }
0xa: {  	[smem:$0x3FA9] =	sst s2  }
0xb: {  	[smem:$0x3FAA] =	sst s3  }
0xc: {  	[smem:$0x3FAB] =	sst s4  }
0xd: {  	[smem:$0x3FAC] =	sst s5  }
0xe: {  	[smem:$0x3FAD] =	sst s6  }
0xf: {  	[smem:$0x3FAE] =	sst s7  }
0x10: {  	[smem:$0x3FAF] =	sst s8  }
0x11: {  	[smem:$0x3FB0] =	sst s9;
	s0 =	simm.s32 @!p0 $0x0  }
0x12: {  	s1 =	sld [smem:$0x3F96];
	s0 =	simm.s32 @p0 $0x1  }
0x13: {  	[smem:$0x3FB1] =	sst s0;
	s0 =	simm.s32 @!p1 $0x0  }
0x14: {  	s2 =	sld [smem:$0x3F95];
	s0 =	simm.s32 @p1 $0x1  }
0x15: {  	[smem:$0x3FB2] =	sst s0;
	s0 =	simm.s32 @!p2 $0x0  }
0x16: {  	s3 =	sld [smem:$0x3FDB];
	s0 =	simm.s32 @p2 $0x1  }
0x17: {  	s4 =	simm.s32 $0x1BF5;
	[smem:$0x3FB4] =	sst s0  }
0x18: {  	s0 =	sld [smem:$0x3F97];
	_ =	swait.ge [sflag:s4], $0x0  }
0x19: {  	s7 =	sld [smem:$0x3F98]  }
0x1a: {  	s8 =	sadd.s32 $0xFFFFE003, lr  }
0x1b: {  	s9 =	sadd.s32 $0xFFFFFEF7, lr;
	s5 =	simm.s32 $0xFFFFFFFF;
	p2 =	slt.u32 s8, $0xFFFFF086  }
0x1c: {  	p1 =	slt.u32 s9, $0xF7A;
	s5 =	simm.s32 @!p2 $0x0  }
0x1d: {  	s5 =	simm.s32 @p1 $0x1;
	p0 =	seq.s32 s7, s2  }
0x1e: {  	s7 =	smul.u32 @!p0 $0xF7A, s2;
	p2 =	seq.s32 @!p0 s5, $0x0  }
0x1f: {  	s9 =	smul.u32 $0xF7A, s1;
	s8 =	simm.s32 @!p0 $0x1BF5;
	p2 =	por !p2, p0  }
0x20: {  	[sflag:s8] =	ssyncset.s32 @!p0 $0xFFFFF086;
	s6 =	sadd.s32 @!p0 s3, s7;
	s7 =	simm.s32 @!p0 $0x108  }
0x21: {  	s3 =	sadd.s32 s3, s9;
	s6 =	sadd.s32 @!p0 $0x88, s6;
	s7 =	simm.s32 @p2 $0x1082  }
0x22: {  	[simem:s7], [sflag:s8] =	dma.local @!p0 [hbm:s6], $0xF7A  }
0x23: {  	s9 =	sor.u32 $0xD0000000, s2;
	s6 =	simm.s32 $0x108;
	_ =	swait.ge @!p0 [sflag:s8], $0x0  }
0x24: {  	s3 =	sadd.s32 $0x88, s3;
	s6 =	simm.s32 @!p1 $0x1082;
	[sflag:s4] =	ssyncset.s32 $0xFFFFF086  }
0x25: {  	[simem:s6], [sflag:s4] =	dma.local [hbm:s3], $0xF7A  }
0x26: {  	[smem:$0x3F98] =	sst s1;
	(tag) =	ssettag s2;
	_ =	strace s9  }
0x27: {  	s1 =	sld [smem:$0x3FA8]  }
0x28: {  	s2 =	sld [smem:$0x3FA9]  }
0x29: {  	s4 =	sld [smem:$0x3FAB]  }
0x2a: {  	p0 =	seq.s32 s5, $0x0;
	s5 =	sld [smem:$0x3FAC]  }
0x2b: {  	s6 =	sld [smem:$0x3FAD]  }
0x2c: {  	s7 =	sld [smem:$0x3FAE]  }
0x2d: {  	s3 =	simm.s32 $0x108;
	s8 =	sld [smem:$0x3FAF]  }
0x2e: {  	s3 =	simm.s32 @!p0 $0x1082;
	s9 =	sld [smem:$0x3FB0]  }
0x2f: {  	lr =	sadd.s32 s0, s3;
	s0 =	sld [smem:$0x3FA7]  }
0x30: {  	s3 =	sld [smem:$0x3FAA]  }
0x31: {  	[smem:$0x3FB3] =	sst s10  }
0x32: {  	s10 =	sld [smem:$0x3FB1];
	_ =	sdelay $0x3  }
0x33: {  	p0 =	seq.s32 s10, $0x1;
	s10 =	sld [smem:$0x3FB3];
	_ =	sdelay $0x3  }
0x34: {  	[smem:$0x3FB3] =	sst s10  }
0x35: {  	s10 =	sld [smem:$0x3FB2];
	_ =	sdelay $0x3  }
0x36: {  	p1 =	seq.s32 s10, $0x1;
	s10 =	sld [smem:$0x3FB3];
	_ =	sdelay $0x3  }
0x37: {  	[smem:$0x3FB3] =	sst s10  }
0x38: {  	s10 =	sld [smem:$0x3FB4]  }
0x39: {  	_ = 	snop;
	(pc) =	sbr.ind lr, $3  }
0x3a: {  	_ = 	snop  }
0x3b: {  	_ = 	snop  }
0x3c: {  	p2 =	seq.s32 s10, $0x1;
	s10 =	sld [smem:$0x3FB3]  }
0x3d: {  	_ =	shalt  }
0x3e: {  	_ =	shalt  }
0x3f: {  	_ =	shalt  }
0x40: {  	_ =	shalt  }
0x41: {  	_ =	shalt  }
0x42: {  	_ =	shalt  }
0x43: {  	_ =	shalt  }
0x44: {  	_ =	shalt  }
0x45: {  	_ =	shalt  }
0x46: {  	_ =	shalt  }
0x47: {  	_ =	shalt  }
0x48: {  	_ =	shalt  }
0x49: {  	_ =	shalt  }
0x4a: {  	_ =	shalt  }
0x4b: {  	_ =	shalt  }
0x4c: {  	_ =	shalt  }
0x4d: {  	_ =	shalt  }
0x4e: {  	_ =	shalt  }
0x4f: {  	_ =	shalt  }
0x50: {  	_ =	shalt  }
0x51: {  	_ =	shalt  }
0x52: {  	_ =	shalt  }
0x53: {  	_ =	shalt  }
0x54: {  	_ =	shalt  }
0x55: {  	_ =	shalt  }
0x56: {  	_ =	shalt  }
0x57: {  	_ =	shalt  }
0x58: {  	_ =	shalt  }
0x59: {  	_ =	shalt  }
0x5a: {  	_ =	shalt  }
0x5b: {  	_ =	shalt  }
0x5c: {  	_ =	shalt  }
0x5d: {  	_ =	shalt  }
0x5e: {  	_ =	shalt  }
0x5f: {  	_ =	shalt  }
0x60: {  	_ =	shalt  }
0x61: {  	_ =	shalt  }
0x62: {  	_ =	shalt  }
0x63: {  	_ =	shalt  }
0x64: {  	_ =	shalt  }
0x65: {  	_ =	shalt  }
0x66: {  	_ =	shalt  }
0x67: {  	_ =	shalt  }
0x68: {  	_ =	shalt  }
0x69: {  	_ =	shalt  }
0x6a: {  	_ =	shalt  }
0x6b: {  	_ =	shalt  }
0x6c: {  	_ =	shalt  }
0x6d: {  	_ =	shalt  }
0x6e: {  	_ =	shalt  }
0x6f: {  	_ =	shalt  }
0x70: {  	_ =	shalt  }
0x71: {  	_ =	shalt  }
0x72: {  	_ =	shalt  }
0x73: {  	_ =	shalt  }
0x74: {  	_ =	shalt  }
0x75: {  	_ =	shalt  }
0x76: {  	_ =	shalt  }
0x77: {  	_ =	shalt  }
0x78: {  	_ =	shalt  }
0x79: {  	_ =	shalt  }
0x7a: {  	_ =	shalt  }
0x7b: {  	_ =	shalt  }
0x7c: {  	_ =	shalt  }
0x7d: {  	_ =	shalt  }
0x7e: {  	_ =	shalt  }
0x7f: {  	_ =	shalt  }
0x80: {  	_ =	shalt  }
0x81: {  	_ =	shalt  }
0x82: {  	_ =	shalt  }
0x83: {  	_ =	shalt  }
0x84: {  	_ =	shalt  }
0x85: {  	_ =	shalt  }
0x86: {  	_ =	shalt  }
0x87: {  	_ =	shalt  }
.Lfunc_end0:
.L_simem_size_0:
called_computation.1_lowered:
.L_overlay_start_0:
0x88: {  	s2 =	sld [smem:$0x3FD9]  }
0x89: {  	s3 =	sld [smem:$0x3FFE];
	_ =	sdelay $0x1  }
0x8a: {  	s1 =	srdreg.scid  }
0x8b: {  	s0 =	sand.u32 $0x1, s1  }
0x8c: {  	s16 =	sshll.u32 s0, $0xA;
	s2 =	sadd.s32 s3, s2  }
0x8d: {  	s2 =	sadd.s32 s2, s16  }
0x8e: {  	[smem:$0x3FBF] =	sst s2  }
0x8f: {  	_ = 	snop  }
0x90: {  	(tm) =	ssettm $0x1  }
0x91: {  	s17 =	sld [smem:$0x3FFB];
	_ =	sdelay $0x3  }
0x92: {  	_ =	strace s17  }
0x93: {  	s2 =	sld [smem:$0x3FFC];
	_ =	sdelay $0x3  }
0x94: {  	_ =	strace s2  }
0x95: {  	s2 =	sld [smem:$0x3FFD];
	_ =	sdelay $0x3  }
0x96: {  	_ =	strace s2  }
0x97: {  	_ =	strace $0x8FFFFFFF  }
0x98: {  	s18 =	sld [smem:$0x3FDB];
	_ =	sdelay $0x1  }
0x99: {  	s19 =	simm.s32 $_scs_section_size  }
0x9a: {  	s4 =	simm.s32 $_size__tile_overlayer_lowered;
	s5 =	simm.s32 $_tile_overlayer_lowered  }
0x9b: {  	s22 =	simm.s32 $0x1BFF;
	s21 =	sshll.u32 s5, $0x1;
	s2 =	sadd.s32 s19, s18  }
0x9c: {  	s6 =	simm.s32 $0x0;
	s20 =	sshll.u32 s4, $0x1;
	s4 =	sadd.s32 s21, s2  }
0x9d: {  	[timem:s6], [sflag:s22] =	dma.local [hbm:s4], s20  }
0x9e: {  	_ =	swait.ge [sflag:s22], s20  }
0x9f: {  	s3 =	ssub.s32 $0x0, s20;
	[sflag:s22] =	ssyncset.done $0x0  }
0xa0: {  	[sflag:s22] =	ssyncadd.s32 s3;
	_ =	sdelay $0x1  }
0xa1: {  	s23 =	simm.s32 $0x1B8B  }
0xa2: {  	_ =	swait.ge [sflag:s23], $0x1  }
0xa3: {  	[sflag:s23] =	ssyncset.done $0x0  }
0xa4: {  	s25 =	simm.s32 $0x1B8E;
	s24 =	sld [smem:$0x3FFE];
	[sflag:s23] =	ssyncadd.s32 $0xFFFFFFFF  }
0xa5: {  	s26 =	simm.s32 $execute0_lowered;
	[smem:$0x3FD2] =	sst s25  }
0xa6: {  	s4 =	sshll.u32 s26, $0x1;
	_ =	strace $0x80000049;
	[dreg:$0x1] =	wrdreg $0xFFFFFFFF  }
0xa7: {  	s28 =	simm.s32 $_size_execute0_lowered;
	s2 =	sadd.s32 s2, s4;
	[dreg:$0x0] =	wrdreg $0x0  }
0xa8: {  	s4 =	sshll.u32 s28, $0x1;
	[dreg:$0x2] =	wrdreg s2  }
0xa9: {  	[dreg:$0x3] =	wrdreg s4  }
0xaa: {  	[dreg:$0x4] =	wrdreg $0xC0  }
0xab: {  	_ =	task [dreg:s6], $0x5FFFF  }
0xac: {  	[dreg:$0x1] =	wrdreg $0xFFFFFFFF  }
0xad: {  	[dreg:$0x0] =	wrdreg $0x60  }
0xae: {  	[dreg:$0x2] =	wrdreg s24  }
0xaf: {  	[dreg:$0x3] =	wrdreg $0x0  }
0xb0: {  	[dreg:$0x4] =	wrdreg $0x9  }
0xb1: {  	_ =	task.clear_ibuf [dreg:s6], $0x5FFFF;
	_ =	strace $0x90000049  }
0xb2: {  	s29 =	simm.s32 $0x9;
	_ =	strace $0x8000004B  }
0xb3: {  	_ =	swait.ge [sflag:s29], $0x1  }
0xb4: {  	[sflag:s29] =	ssyncadd.s32 $0xFFFFFFFF  }
0xb5: {  	_ =	strace $0x9000004B  }
0xb6: {  	_ =	sfence  }
0xb7: {  	s30 =	sld [smem:$0x0];
	_ =	sdelay $0x2  }
0xb8: {  	s31 =	sshll.u32 s1, $0xD;
	s1 =	sshrl.u32 s1, $0x2  }
0xb9: {  	s3 =	sand.u32 $0x4000, s31;
	s1 =	sadd.s32 s1, s30  }
0xba: {  	s0 =	sor.u32 s3, s0;
	s1 =	sshll.u32 s1, $0x11  }
0xbb: {  	s0 =	sor.u32 s1, s0  }
0xbc: {  	s0 =	sadd.s32 $0x8F2B, s0  }
0xbd: {  	[sflag:s0] =	ssyncadd.remote.s32 $0x1  }
0xbe: {  	_ =	sfence.sel $0xFFFF  }
0xbf: {  	[dreg:$0x0] =	wrdreg $0xFFFFFFFF;
	(pc) =	sbr.abs _section_cstart, $3  }
0xc0: {  	[dreg:$0x1] =	wrdreg $0xFFFFFFFF  }
0xc1: {  	_ =	task.clear_ibuf [dreg:s6], $0x2FFFF;
	_ =	strace $0x9FFFFFFF  }
0xc2: {  	(tm) =	ssettm $0x7FFFFFFF  }
0xc3: {  	_ =	shalt  }
tec
execute0_lowered:
.L_overlay_start_1:
0x0: {  	(tag) =	ssettag $0x1  }
0x1: {  	s7 =	rddreg [dreg:$0x0]  }
0x2: {  	s1 =	rddreg [dreg:$0x1]  }
0x3: {  	s2 =	srdreg.scid;
	s0 =	rddreg [dreg:$0x2]  }
0x4: {  	s3 =	simm.s32 $0x0;
	s18 =	simm.s32 $0x14000;
	s19 =	simm.s32 $0x14080  }
0x5: {  	s20 =	simm.s32 $0x80;
	s21 =	simm.s32 $0x1;
	s22 =	simm.s32 $0x0  }
0x6: {  	s14 =	sand.u32 $0x1, s2;
	s2 =	stileid.u32;
	[smem:$0x7FF] =	sst s3  }
0x7: {  	s4 =	sadd.s32 $0x16C00, s7;
	s5 =	sadd.s32 $0x3000, s7;
	s6 =	smul.u32 $0x140000, s14  }
0x8: {  	s8 =	smul.u32 $0x14000, s2;
	_ =	strace $0x8000004A;
	s9 =	ssub.s32 $0x2, s14  }
0x9: {  	s10 =	smul.u32 $0x50000, s2;
	s13 =	sshll.u32 s2, $0x1;
	s15 =	sshll.u32 s2, $0x8  }
0xa: {  	s17 =	sshll.u32 s14, $0x7;
	s11 =	sshrl.u32 s9, $0x1;
	s16 =	sor.u32 s13, s14  }
0xb: {  	s15 =	sor.u32 s17, s15;
	s17 =	simm.s32 $0x2;
	s8 =	sadd.s32 s8, s6  }
0xc: {  	s6 =	sadd.s32 $0xCE00, s7;
	s9 =	ssub.s32 s9, s11;
	s31 =	sshrl.u32 s10, $0x2  }
0xd: {  	s16 =	ssub.s32 $0x9E3, s16;
	s8 =	sshrl.u32 s8, $0x3;
	s9 =	smax.u32 s9, $0x1  }
0xe: {  	s14 =	sshrl.u32 s16, $0x5;
	s8 =	sadd.s32 s8, s7;
	s7 =	sadd.s32 s31, s1  }
0xf: {  	s16 =	simm.s32 $0x14100;
	s8 =	sadd.s32 $0x3DE00, s8;
	s10 =	sadd.s32 $0x4000, s7  }
0x10: {  	v0 =	vimm.f32 $0.0e+00;
	s11 =	sadd.s32 $0x8000, s7;
	s12 =	sadd.s32 $0xC000, s7;
	s13 =	sadd.s32 $0x10000, s7  }
.LBB2_1:
0x11: {  	s23 =	sand.u32 $0xFE00, s3  }
0x12: {  	s24 =	sand.u32 $0x70, s3;
	s25 =	sshrl.u32 s23, $0x2  }
0x13: {  	s23 =	simm.s32 $0x40;
	s25 =	sor.u32 s24, s25;
	s24 =	simm.s32 $0x0  }
.LBB2_2:
0x14: {  	p0 =	sne.s32 s23, $0xFFC0  }
0x15: {  	[tilespmem:s25+$0x14100] =	vst v0;
	s24 =	sadd.s32 $0x10, s24;
	s25 =	smov.u32 s23;
	s23 =	sadd.s32 $0x40, s23  }
.Ltmp0:
0x16: {  	(pc) =	sbr.rel @p0 .LBB2_2-.Ltmp0, $4  }
0x17: {  	_ = 	snop  }
0x18: {  	s25 =	sand.u32 $0xFE00, s25  }
0x19: {  	s26 =	sand.u32 $0x70, s24;
	s25 =	sshrl.u32 s25, $0x2  }
0x1a: {  	s25 =	sor.u32 s26, s25  }
0x1b: {  	[tilespmem:s25+$0x14100] =	vst v0  }
0x1c: {  	[spmem:s7] =	stream.linear.scatter [tilespmem:s16], [sflag:$0x2], $0x4000, $0x38;
	[tilespmem:$0x18100] =	vst v63  }
0x1d: {  	_ =	swait.ge [sflag:s17], $0x4000  }
0x1e: {  	[sflag:s17] =	ssyncset.done $0x0  }
0x1f: {  	[sflag:s17] =	ssyncadd.s32 $0xFFFFC000  }
0x20: {  	[spmem:s10] =	stream.linear.scatter [tilespmem:s16], [sflag:$0x2], $0x4000, $0x38;
	[tilespmem:$0x18100] =	vst v63  }
0x21: {  	_ =	swait.ge [sflag:s17], $0x4000  }
0x22: {  	[sflag:s17] =	ssyncset.done $0x0  }
0x23: {  	[sflag:s17] =	ssyncadd.s32 $0xFFFFC000  }
0x24: {  	[spmem:s11] =	stream.linear.scatter [tilespmem:s16], [sflag:$0x2], $0x4000, $0x38;
	[tilespmem:$0x18100] =	vst v63  }
0x25: {  	_ =	swait.ge [sflag:s17], $0x4000  }
0x26: {  	[sflag:s17] =	ssyncset.done $0x0  }
0x27: {  	[sflag:s17] =	ssyncadd.s32 $0xFFFFC000  }
0x28: {  	[spmem:s12] =	stream.linear.scatter [tilespmem:s16], [sflag:$0x2], $0x4000, $0x38;
	[tilespmem:$0x18100] =	vst v63  }
0x29: {  	_ =	swait.ge [sflag:s17], $0x4000  }
0x2a: {  	[sflag:s17] =	ssyncset.done $0x0  }
0x2b: {  	p1 =	sne.s32 s14, $0x1;
	[sflag:s17] =	ssyncadd.s32 $0xFFFFC000  }
0x2c: {  	[spmem:s13] =	stream.linear.scatter [tilespmem:s16], [sflag:$0x2], $0x4000, $0x38;
	[tilespmem:$0x18100] =	vst v63  }
.Ltmp1:
0x2d: {  	_ =	swait.ge [sflag:s17], $0x4000;
	(pc) =	sbr.rel @!p1 .LBB2_6-.Ltmp1, $4  }
0x2e: {  	[sflag:s17] =	ssyncset.done $0x0  }
0x2f: {  	[sflag:s17] =	ssyncadd.s32 $0xFFFFC000  }
0x30: {  	[bflag:$0x0] =	sbarrier.arrive $0xFFFF  }
0x31: {  	s23 =	sadd.s32 $0xFFFFFFFF, s14;
	s25 =	sshrl.u32 s15, $0x3;
	p0 =	por $0x0, $0x0  }
0x32: {  	s24 =	sadd.s32 s5, s25  }
0x33: {  	[tilespmem:s18], [sflag:$0x2] =	stream.linear.gather [hbm4b:s24+s3], $0x80, $0x38;
	[tilespmem:$0x18100] =	vst v63  }
0x34: {  	_ =	swait.ge [sflag:s17], $0x80  }
0x35: {  	[sflag:s17] =	ssyncset.done $0x0  }
0x36: {  	s31 =	sadd.s32 s6, s25;
	[sflag:s17] =	ssyncadd.s32 $0xFFFFFF80  }
0x37: {  	[tilespmem:s19], [sflag:$0x2] =	stream.linear.gather [hbm4b:s31+s3], $0x80, $0x38;
	[tilespmem:$0x18100] =	vst v63  }
0x38: {  	_ =	swait.ge [sflag:s17], $0x80  }
0x39: {  	[sflag:s17] =	ssyncset.done $0x0  }
0x3a: {  	[sflag:s17] =	ssyncadd.s32 $0xFFFFFF80  }
0x3b: {  	[tilespmem:s16], [sflag:$0x1] =	stream.indirect.gather [hbm4b:s4+s20], $0x80, s18, s20, $0xb8;
	[tilespmem:$0x18100] =	vst v63  }
0x3c: {  	p1 =	sne.s32 s23, $0x1;
	_ =	swait.ge [sflag:s21], $0x4000  }
.Ltmp2:
0x3d: {  	[sflag:s21] =	ssyncset.done $0x0;
	(pc) =	sbr.rel @!p1 .LBB2_6-.Ltmp2, $4  }
0x3e: {  	[sflag:s21] =	ssyncadd.s32 $0xFFFFC000  }
0x3f: {  	[spmem:s1] =	stream.indirect.scatter.add.f32 [tilespmem:s16], [sflag:$0x2], $0x80, s19, s20, $0xb8;
	[tilespmem:$0x18100] =	vst v63  }
0x40: {  	s23 =	sadd.s32 $0xFFFFFFFF, s23;
	s24 =	sadd.s32 $0x1000, s15;
	_ =	swait.ge [sflag:s17], $0x4000  }
0x41: {  	p0 =	por $0x1, $0x1;
	s25 =	sshrl.u32 s24, $0x3;
	[sflag:s17] =	ssyncset.done $0x0  }
.LBB2_5:
0x42: {  	p1 =	sne.s32 s23, $0x1;
	s26 =	sadd.s32 s5, s25;
	[sflag:s17] =	ssyncadd.s32 $0xFFFFC000  }
0x43: {  	[tilespmem:s18], [sflag:$0x2] =	stream.linear.gather [hbm4b:s26+s3], $0x80, $0x38;
	[tilespmem:$0x18100] =	vst v63  }
0x44: {  	s23 =	sadd.s32 $0xFFFFFFFF, s23;
	_ =	swait.ge [sflag:s17], $0x80  }
0x45: {  	[sflag:s17] =	ssyncset.done $0x0  }
0x46: {  	s25 =	sadd.s32 s6, s25;
	[sflag:s17] =	ssyncadd.s32 $0xFFFFFF80  }
0x47: {  	[tilespmem:s19], [sflag:$0x2] =	stream.linear.gather [hbm4b:s25+s3], $0x80, $0x38;
	[tilespmem:$0x18100] =	vst v63  }
0x48: {  	_ =	swait.ge [sflag:s17], $0x80  }
0x49: {  	[sflag:s17] =	ssyncset.done $0x0  }
0x4a: {  	[sflag:s17] =	ssyncadd.s32 $0xFFFFFF80  }
0x4b: {  	[tilespmem:s16], [sflag:$0x1] =	stream.indirect.gather [hbm4b:s4+s20], $0x80, s18, s20, $0xb8;
	[tilespmem:$0x18100] =	vst v63  }
0x4c: {  	_ =	swait.ge [sflag:s21], $0x4000  }
.Ltmp3:
0x4d: {  	[sflag:s21] =	ssyncset.done $0x0;
	(pc) =	sbr.rel @p1 .LBB2_5-.Ltmp3, $4  }
0x4e: {  	[sflag:s21] =	ssyncadd.s32 $0xFFFFC000  }
0x4f: {  	[spmem:s1] =	stream.indirect.scatter.add.f32 [tilespmem:s16], [sflag:$0x2], $0x80, s19, s20, $0xb8;
	[tilespmem:$0x18100] =	vst v63  }
0x50: {  	s24 =	sadd.s32 $0x1000, s24;
	_ =	swait.ge [sflag:s17], $0x4000  }
0x51: {  	s25 =	sshrl.u32 s24, $0x3;
	[sflag:s17] =	ssyncset.done $0x0  }
.LBB2_6:
0x52: {  	s23 =	sadd.s32 s5, s25;
	[sflag:s17] =	ssyncadd.s32 @p0 $0xFFFFC000  }
0x53: {  	[tilespmem:s18], [sflag:$0x2] =	stream.linear.gather [hbm4b:s23+s3], $0x80, $0x38;
	[tilespmem:$0x18100] =	vst v63  }
0x54: {  	_ =	swait.ge [sflag:s17], $0x80  }
0x55: {  	[sflag:s17] =	ssyncset.done $0x0  }
0x56: {  	s30 =	sadd.s32 s6, s25;
	[sflag:s17] =	ssyncadd.s32 $0xFFFFFF80  }
0x57: {  	[tilespmem:s19], [sflag:$0x2] =	stream.linear.gather [hbm4b:s30+s3], $0x80, $0x38;
	[tilespmem:$0x18100] =	vst v63  }
0x58: {  	_ =	swait.ge [sflag:s17], $0x80  }
0x59: {  	[sflag:s17] =	ssyncset.done $0x0  }
0x5a: {  	[sflag:s17] =	ssyncadd.s32 $0xFFFFFF80  }
0x5b: {  	[tilespmem:s16], [sflag:$0x1] =	stream.indirect.gather [hbm4b:s4+s20], $0x80, s18, s20, $0xb8;
	[tilespmem:$0x18100] =	vst v63  }
0x5c: {  	_ =	swait.ge [sflag:s21], $0x4000  }
0x5d: {  	[sflag:s21] =	ssyncset.done $0x0  }
0x5e: {  	[sflag:s21] =	ssyncadd.s32 $0xFFFFC000  }
0x5f: {  	[spmem:s1] =	stream.indirect.scatter.add.f32 [tilespmem:s16], [sflag:$0x2], $0x80, s19, s20, $0xb8;
	[tilespmem:$0x18100] =	vst v63  }
0x60: {  	_ =	swait.ge [sflag:s17], $0x4000  }
0x61: {  	s31 =	sshll.u32 s2, $0x6;
	s22 =	sadd.s32 $0x1, s22;
	[sflag:s17] =	ssyncset.done $0x0  }
0x62: {  	s24 =	sshrl.u32 s7, $0x3;
	p0 =	sne.s32 s22, s9;
	[sflag:s17] =	ssyncadd.s32 $0xFFFFC000  }
.Ltmp4:
0x63: {  	s23 =	sor.u32 $0x1C02, s31;
	[bflag:$0x0] =	sbarrier.arrive $0xFFFF;
	(pc) =	sbr.rel @p0 .LBB2_1-.Ltmp4, $4  }
0x64: {  	[hbm:s8], [sflag:s23] =	dma.local [spmem:s24], $0x2800  }
0x65: {  	_ =	swait.ge [sflag:s17], $0x2800  }
0x66: {  	[sflag:s17] =	ssyncset.done $0x0  }
0x67: {  	[sflag:s17] =	ssyncadd.s32 $0xFFFFD800  }
0x68: {  	_ =	sfence.sel $0x180000  }
0x69: {  	[bflag:$0x0] =	sbarrier.arrive $0xFFFF  }
0x6a: {  	p0 =	sne.s32 s2, $0x0;
	_ =	strace $0x9000004A  }
0x6b: {  	s0 =	sadd.s32 @!p0 $0x100000, s0;
	[bflag:$0x2] =	sbarrier.arrive $0xFFFF  }
0x6c: {  	[sflag:s0] =	ssyncadd.tile.s32 @!p0 $0x1;
	_ =	shalt  }
.Lfunc_end2:
_tile_overlayer_lowered:
.L_overlay_start_2:
0x6d: {  	(tag) =	ssettag $0x2  }
0x6e: {  	s0 =	rddreg [dreg:$0x0];
	s2 =	stileid.u32  }
0x6f: {  	s1 =	rddreg [dreg:$0x1];
	p0 =	sne.s32 s2, $0x0  }
0x70: {  	s3 =	rddreg [dreg:$0x2];
	[bflag:$0x3] =	sbarrier.arrive $0xFFFF;
	s2 =	simm.s32 @!p0 $0x1C02  }
0x71: {  	[timem:s3], [sflag:s2] =	dma.local @!p0 [hbm:s0], s1  }
0x72: {  	s0 =	simm.s32 @!p0 $0x2  }
0x73: {  	_ =	swait.ge @!p0 [sflag:s0], s1  }
0x74: {  	s1 =	ssub.s32 @!p0 $0x0, s1;
	[sflag:s0] =	ssyncset.done @!p0 $0x0  }
0x75: {  	[sflag:s0] =	ssyncadd.s32 @!p0 s1  }
0x76: {  	[bflag:$0x3] =	sbarrier.arrive $0xFFFF  }
0x77: {  	_ =	shalt  }

// kernel: kernel.14.cloned.1.call-start
scs
__scs_entry_jumppad:
0x0: {  	(pc) =	sbr.rel $0x88, $3  }
0x1: {  	(tag) =	ssettag $0x0;
	lr =	simm.s32 $0x1  }
0x2: {  	[smem:$0x3F98] =	sst lr;
	_ =	strace $0xD0000000  }
0x3: {  	_ = 	snop  }
0x4: {  	_ = 	snop  }
0x5: {  	_ = 	snop  }
0x6: {  	_ = 	snop  }
0x7: {  	_ = 	snop  }
__scs_overlays_trampoline_lowered:
0x8: {  	[smem:$0x3FA7] =	sst s0  }
0x9: {  	[smem:$0x3FA8] =	sst s1  }
0xa: {  	[smem:$0x3FA9] =	sst s2  }
0xb: {  	[smem:$0x3FAA] =	sst s3  }
0xc: {  	[smem:$0x3FAB] =	sst s4  }
0xd: {  	[smem:$0x3FAC] =	sst s5  }
0xe: {  	[smem:$0x3FAD] =	sst s6  }
0xf: {  	[smem:$0x3FAE] =	sst s7  }
0x10: {  	[smem:$0x3FAF] =	sst s8  }
0x11: {  	[smem:$0x3FB0] =	sst s9;
	s0 =	simm.s32 @!p0 $0x0  }
0x12: {  	s1 =	sld [smem:$0x3F96];
	s0 =	simm.s32 @p0 $0x1  }
0x13: {  	[smem:$0x3FB1] =	sst s0;
	s0 =	simm.s32 @!p1 $0x0  }
0x14: {  	s2 =	sld [smem:$0x3F95];
	s0 =	simm.s32 @p1 $0x1  }
0x15: {  	[smem:$0x3FB2] =	sst s0;
	s0 =	simm.s32 @!p2 $0x0  }
0x16: {  	s3 =	sld [smem:$0x3FDB];
	s0 =	simm.s32 @p2 $0x1  }
0x17: {  	s4 =	simm.s32 $0x1BF5;
	[smem:$0x3FB4] =	sst s0  }
0x18: {  	s0 =	sld [smem:$0x3F97];
	_ =	swait.ge [sflag:s4], $0x0  }
0x19: {  	s7 =	sld [smem:$0x3F98]  }
0x1a: {  	s8 =	sadd.s32 $0xFFFFE003, lr  }
0x1b: {  	s9 =	sadd.s32 $0xFFFFFEF7, lr;
	s5 =	simm.s32 $0xFFFFFFFF;
	p2 =	slt.u32 s8, $0xFFFFF086  }
0x1c: {  	p1 =	slt.u32 s9, $0xF7A;
	s5 =	simm.s32 @!p2 $0x0  }
0x1d: {  	s5 =	simm.s32 @p1 $0x1;
	p0 =	seq.s32 s7, s2  }
0x1e: {  	s7 =	smul.u32 @!p0 $0xF7A, s2;
	p2 =	seq.s32 @!p0 s5, $0x0  }
0x1f: {  	s9 =	smul.u32 $0xF7A, s1;
	s8 =	simm.s32 @!p0 $0x1BF5;
	p2 =	por !p2, p0  }
0x20: {  	[sflag:s8] =	ssyncset.s32 @!p0 $0xFFFFF086;
	s6 =	sadd.s32 @!p0 s3, s7;
	s7 =	simm.s32 @!p0 $0x108  }
0x21: {  	s3 =	sadd.s32 s3, s9;
	s6 =	sadd.s32 @!p0 $0x88, s6;
	s7 =	simm.s32 @p2 $0x1082  }
0x22: {  	[simem:s7], [sflag:s8] =	dma.local @!p0 [hbm:s6], $0xF7A  }
0x23: {  	s9 =	sor.u32 $0xD0000000, s2;
	s6 =	simm.s32 $0x108;
	_ =	swait.ge @!p0 [sflag:s8], $0x0  }
0x24: {  	s3 =	sadd.s32 $0x88, s3;
	s6 =	simm.s32 @!p1 $0x1082;
	[sflag:s4] =	ssyncset.s32 $0xFFFFF086  }
0x25: {  	[simem:s6], [sflag:s4] =	dma.local [hbm:s3], $0xF7A  }
0x26: {  	[smem:$0x3F98] =	sst s1;
	(tag) =	ssettag s2;
	_ =	strace s9  }
0x27: {  	s1 =	sld [smem:$0x3FA8]  }
0x28: {  	s2 =	sld [smem:$0x3FA9]  }
0x29: {  	s4 =	sld [smem:$0x3FAB]  }
0x2a: {  	p0 =	seq.s32 s5, $0x0;
	s5 =	sld [smem:$0x3FAC]  }
0x2b: {  	s6 =	sld [smem:$0x3FAD]  }
0x2c: {  	s7 =	sld [smem:$0x3FAE]  }
0x2d: {  	s3 =	simm.s32 $0x108;
	s8 =	sld [smem:$0x3FAF]  }
0x2e: {  	s3 =	simm.s32 @!p0 $0x1082;
	s9 =	sld [smem:$0x3FB0]  }
0x2f: {  	lr =	sadd.s32 s0, s3;
	s0 =	sld [smem:$0x3FA7]  }
0x30: {  	s3 =	sld [smem:$0x3FAA]  }
0x31: {  	[smem:$0x3FB3] =	sst s10  }
0x32: {  	s10 =	sld [smem:$0x3FB1];
	_ =	sdelay $0x3  }
0x33: {  	p0 =	seq.s32 s10, $0x1;
	s10 =	sld [smem:$0x3FB3];
	_ =	sdelay $0x3  }
0x34: {  	[smem:$0x3FB3] =	sst s10  }
0x35: {  	s10 =	sld [smem:$0x3FB2];
	_ =	sdelay $0x3  }
0x36: {  	p1 =	seq.s32 s10, $0x1;
	s10 =	sld [smem:$0x3FB3];
	_ =	sdelay $0x3  }
0x37: {  	[smem:$0x3FB3] =	sst s10  }
0x38: {  	s10 =	sld [smem:$0x3FB4]  }
0x39: {  	_ = 	snop;
	(pc) =	sbr.ind lr, $3  }
0x3a: {  	_ = 	snop  }
0x3b: {  	_ = 	snop  }
0x3c: {  	p2 =	seq.s32 s10, $0x1;
	s10 =	sld [smem:$0x3FB3]  }
0x3d: {  	_ =	shalt  }
0x3e: {  	_ =	shalt  }
0x3f: {  	_ =	shalt  }
0x40: {  	_ =	shalt  }
0x41: {  	_ =	shalt  }
0x42: {  	_ =	shalt  }
0x43: {  	_ =	shalt  }
0x44: {  	_ =	shalt  }
0x45: {  	_ =	shalt  }
0x46: {  	_ =	shalt  }
0x47: {  	_ =	shalt  }
0x48: {  	_ =	shalt  }
0x49: {  	_ =	shalt  }
0x4a: {  	_ =	shalt  }
0x4b: {  	_ =	shalt  }
0x4c: {  	_ =	shalt  }
0x4d: {  	_ =	shalt  }
0x4e: {  	_ =	shalt  }
0x4f: {  	_ =	shalt  }
0x50: {  	_ =	shalt  }
0x51: {  	_ =	shalt  }
0x52: {  	_ =	shalt  }
0x53: {  	_ =	shalt  }
0x54: {  	_ =	shalt  }
0x55: {  	_ =	shalt  }
0x56: {  	_ =	shalt  }
0x57: {  	_ =	shalt  }
0x58: {  	_ =	shalt  }
0x59: {  	_ =	shalt  }
0x5a: {  	_ =	shalt  }
0x5b: {  	_ =	shalt  }
0x5c: {  	_ =	shalt  }
0x5d: {  	_ =	shalt  }
0x5e: {  	_ =	shalt  }
0x5f: {  	_ =	shalt  }
0x60: {  	_ =	shalt  }
0x61: {  	_ =	shalt  }
0x62: {  	_ =	shalt  }
0x63: {  	_ =	shalt  }
0x64: {  	_ =	shalt  }
0x65: {  	_ =	shalt  }
0x66: {  	_ =	shalt  }
0x67: {  	_ =	shalt  }
0x68: {  	_ =	shalt  }
0x69: {  	_ =	shalt  }
0x6a: {  	_ =	shalt  }
0x6b: {  	_ =	shalt  }
0x6c: {  	_ =	shalt  }
0x6d: {  	_ =	shalt  }
0x6e: {  	_ =	shalt  }
0x6f: {  	_ =	shalt  }
0x70: {  	_ =	shalt  }
0x71: {  	_ =	shalt  }
0x72: {  	_ =	shalt  }
0x73: {  	_ =	shalt  }
0x74: {  	_ =	shalt  }
0x75: {  	_ =	shalt  }
0x76: {  	_ =	shalt  }
0x77: {  	_ =	shalt  }
0x78: {  	_ =	shalt  }
0x79: {  	_ =	shalt  }
0x7a: {  	_ =	shalt  }
0x7b: {  	_ =	shalt  }
0x7c: {  	_ =	shalt  }
0x7d: {  	_ =	shalt  }
0x7e: {  	_ =	shalt  }
0x7f: {  	_ =	shalt  }
0x80: {  	_ =	shalt  }
0x81: {  	_ =	shalt  }
0x82: {  	_ =	shalt  }
0x83: {  	_ =	shalt  }
0x84: {  	_ =	shalt  }
0x85: {  	_ =	shalt  }
0x86: {  	_ =	shalt  }
0x87: {  	_ =	shalt  }
.Lfunc_end0:
.L_simem_size_0:
called_computation.2_lowered:
.L_overlay_start_0:
0x88: {  	s2 =	sld [smem:$0x3FD9]  }
0x89: {  	s3 =	sld [smem:$0x3FFE];
	_ =	sdelay $0x1  }
0x8a: {  	s1 =	srdreg.scid  }
0x8b: {  	s0 =	sand.u32 $0x1, s1  }
0x8c: {  	s16 =	sshll.u32 s0, $0xA;
	s2 =	sadd.s32 s3, s2  }
0x8d: {  	s2 =	sadd.s32 s2, s16  }
0x8e: {  	[smem:$0x3FBF] =	sst s2  }
0x8f: {  	_ = 	snop  }
0x90: {  	(tm) =	ssettm $0x1  }
0x91: {  	s17 =	sld [smem:$0x3FFB];
	_ =	sdelay $0x3  }
0x92: {  	_ =	strace s17  }
0x93: {  	s2 =	sld [smem:$0x3FFC];
	_ =	sdelay $0x3  }
0x94: {  	_ =	strace s2  }
0x95: {  	s2 =	sld [smem:$0x3FFD];
	_ =	sdelay $0x3  }
0x96: {  	_ =	strace s2  }
0x97: {  	_ =	strace $0x8FFFFFFF  }
0x98: {  	s18 =	sld [smem:$0x3FDB];
	_ =	sdelay $0x1  }
0x99: {  	s19 =	simm.s32 $_scs_section_size  }
0x9a: {  	s4 =	simm.s32 $_size__tile_overlayer_lowered;
	s5 =	simm.s32 $_tile_overlayer_lowered  }
0x9b: {  	s22 =	simm.s32 $0x1BFF;
	s21 =	sshll.u32 s5, $0x1;
	s2 =	sadd.s32 s19, s18  }
0x9c: {  	s6 =	simm.s32 $0x0;
	s20 =	sshll.u32 s4, $0x1;
	s4 =	sadd.s32 s21, s2  }
0x9d: {  	[timem:s6], [sflag:s22] =	dma.local [hbm:s4], s20  }
0x9e: {  	_ =	swait.ge [sflag:s22], s20  }
0x9f: {  	s3 =	ssub.s32 $0x0, s20;
	[sflag:s22] =	ssyncset.done $0x0  }
0xa0: {  	[sflag:s22] =	ssyncadd.s32 s3;
	_ =	sdelay $0x1  }
0xa1: {  	s23 =	simm.s32 $0x1B8B  }
0xa2: {  	_ =	swait.ge [sflag:s23], $0x1  }
0xa3: {  	[sflag:s23] =	ssyncset.done $0x0  }
0xa4: {  	s25 =	simm.s32 $0x1B8E;
	s24 =	sld [smem:$0x3FFE];
	[sflag:s23] =	ssyncadd.s32 $0xFFFFFFFF  }
0xa5: {  	s26 =	simm.s32 $execute0_lowered;
	[smem:$0x3FD2] =	sst s25  }
0xa6: {  	s4 =	sshll.u32 s26, $0x1;
	_ =	strace $0x8000004C;
	[dreg:$0x1] =	wrdreg $0xFFFFFFFF  }
0xa7: {  	s28 =	simm.s32 $_size_execute0_lowered;
	s2 =	sadd.s32 s2, s4;
	[dreg:$0x0] =	wrdreg $0x0  }
0xa8: {  	s4 =	sshll.u32 s28, $0x1;
	[dreg:$0x2] =	wrdreg s2  }
0xa9: {  	[dreg:$0x3] =	wrdreg s4  }
0xaa: {  	[dreg:$0x4] =	wrdreg $0xC0  }
0xab: {  	_ =	task [dreg:s6], $0x5FFFF  }
0xac: {  	[dreg:$0x1] =	wrdreg $0xFFFFFFFF  }
0xad: {  	[dreg:$0x0] =	wrdreg $0x60  }
0xae: {  	[dreg:$0x2] =	wrdreg s24  }
0xaf: {  	[dreg:$0x3] =	wrdreg $0x0  }
0xb0: {  	[dreg:$0x4] =	wrdreg $0x9  }
0xb1: {  	_ =	task.clear_ibuf [dreg:s6], $0x5FFFF;
	_ =	strace $0x9000004C  }
0xb2: {  	s29 =	simm.s32 $0x9;
	_ =	strace $0x8000004E  }
0xb3: {  	_ =	swait.ge [sflag:s29], $0x1  }
0xb4: {  	[sflag:s29] =	ssyncadd.s32 $0xFFFFFFFF  }
0xb5: {  	_ =	strace $0x9000004E  }
0xb6: {  	_ =	sfence  }
0xb7: {  	s30 =	sld [smem:$0x0];
	_ =	sdelay $0x2  }
0xb8: {  	s31 =	sshll.u32 s1, $0xD;
	s1 =	sshrl.u32 s1, $0x2  }
0xb9: {  	s3 =	sand.u32 $0x4000, s31;
	s1 =	sadd.s32 s1, s30  }
0xba: {  	s0 =	sor.u32 s3, s0;
	s1 =	sshll.u32 s1, $0x11  }
0xbb: {  	s0 =	sor.u32 s1, s0  }
0xbc: {  	s0 =	sadd.s32 $0x8F2B, s0  }
0xbd: {  	[sflag:s0] =	ssyncadd.remote.s32 $0x1  }
0xbe: {  	_ =	sfence.sel $0xFFFF  }
0xbf: {  	[dreg:$0x0] =	wrdreg $0xFFFFFFFF;
	(pc) =	sbr.abs _section_cstart, $3  }
0xc0: {  	[dreg:$0x1] =	wrdreg $0xFFFFFFFF  }
0xc1: {  	_ =	task.clear_ibuf [dreg:s6], $0x2FFFF;
	_ =	strace $0x9FFFFFFF  }
0xc2: {  	(tm) =	ssettm $0x7FFFFFFF  }
0xc3: {  	_ =	shalt  }
tec
execute0_lowered:
.L_overlay_start_1:
0x0: {  	(tag) =	ssettag $0x1  }
0x1: {  	s7 =	rddreg [dreg:$0x0]  }
0x2: {  	s1 =	rddreg [dreg:$0x1]  }
0x3: {  	s2 =	srdreg.scid;
	s0 =	rddreg [dreg:$0x2]  }
0x4: {  	s3 =	simm.s32 $0x0;
	s18 =	simm.s32 $0x14000;
	s19 =	simm.s32 $0x14080  }
0x5: {  	s20 =	simm.s32 $0x80;
	s21 =	simm.s32 $0x1;
	s22 =	simm.s32 $0x0  }
0x6: {  	s14 =	sand.u32 $0x1, s2;
	s2 =	stileid.u32;
	[smem:$0x7FF] =	sst s3  }
0x7: {  	s4 =	sadd.s32 $0x16C00, s7;
	s5 =	sadd.s32 $0x3000, s7;
	s6 =	smul.u32 $0x140000, s14  }
0x8: {  	s8 =	smul.u32 $0x14000, s2;
	_ =	strace $0x8000004D;
	s9 =	ssub.s32 $0x2, s14  }
0x9: {  	s10 =	smul.u32 $0x50000, s2;
	s13 =	sshll.u32 s2, $0x1;
	s15 =	sshll.u32 s2, $0x8  }
0xa: {  	s17 =	sshll.u32 s14, $0x7;
	s11 =	sshrl.u32 s9, $0x1;
	s16 =	sor.u32 s13, s14  }
0xb: {  	s15 =	sor.u32 s17, s15;
	s17 =	simm.s32 $0x2;
	s8 =	sadd.s32 s8, s6  }
0xc: {  	s6 =	sadd.s32 $0xCE00, s7;
	s9 =	ssub.s32 s9, s11;
	s31 =	sshrl.u32 s10, $0x2  }
0xd: {  	s16 =	ssub.s32 $0x9E3, s16;
	s8 =	sshrl.u32 s8, $0x3;
	s9 =	smax.u32 s9, $0x1  }
0xe: {  	s14 =	sshrl.u32 s16, $0x5;
	s8 =	sadd.s32 s8, s7;
	s7 =	sadd.s32 s31, s1  }
0xf: {  	s16 =	simm.s32 $0x14100;
	s8 =	sadd.s32 $0x3DE00, s8;
	s10 =	sadd.s32 $0x4000, s7  }
0x10: {  	v0 =	vimm.f32 $0.0e+00;
	s11 =	sadd.s32 $0x8000, s7;
	s12 =	sadd.s32 $0xC000, s7;
	s13 =	sadd.s32 $0x10000, s7  }
.LBB2_1:
0x11: {  	s23 =	sand.u32 $0xFE00, s3  }
0x12: {  	s24 =	sand.u32 $0x70, s3;
	s25 =	sshrl.u32 s23, $0x2  }
0x13: {  	s23 =	simm.s32 $0x40;
	s25 =	sor.u32 s24, s25;
	s24 =	simm.s32 $0x0  }
.LBB2_2:
0x14: {  	p0 =	sne.s32 s23, $0xFFC0  }
0x15: {  	[tilespmem:s25+$0x14100] =	vst v0;
	s24 =	sadd.s32 $0x10, s24;
	s25 =	smov.u32 s23;
	s23 =	sadd.s32 $0x40, s23  }
.Ltmp0:
0x16: {  	(pc) =	sbr.rel @p0 .LBB2_2-.Ltmp0, $4  }
0x17: {  	_ = 	snop  }
0x18: {  	s25 =	sand.u32 $0xFE00, s25  }
0x19: {  	s26 =	sand.u32 $0x70, s24;
	s25 =	sshrl.u32 s25, $0x2  }
0x1a: {  	s25 =	sor.u32 s26, s25  }
0x1b: {  	[tilespmem:s25+$0x14100] =	vst v0  }
0x1c: {  	[spmem:s7] =	stream.linear.scatter [tilespmem:s16], [sflag:$0x2], $0x4000, $0x38;
	[tilespmem:$0x18100] =	vst v63  }
0x1d: {  	_ =	swait.ge [sflag:s17], $0x4000  }
0x1e: {  	[sflag:s17] =	ssyncset.done $0x0  }
0x1f: {  	[sflag:s17] =	ssyncadd.s32 $0xFFFFC000  }
0x20: {  	[spmem:s10] =	stream.linear.scatter [tilespmem:s16], [sflag:$0x2], $0x4000, $0x38;
	[tilespmem:$0x18100] =	vst v63  }
0x21: {  	_ =	swait.ge [sflag:s17], $0x4000  }
0x22: {  	[sflag:s17] =	ssyncset.done $0x0  }
0x23: {  	[sflag:s17] =	ssyncadd.s32 $0xFFFFC000  }
0x24: {  	[spmem:s11] =	stream.linear.scatter [tilespmem:s16], [sflag:$0x2], $0x4000, $0x38;
	[tilespmem:$0x18100] =	vst v63  }
0x25: {  	_ =	swait.ge [sflag:s17], $0x4000  }
0x26: {  	[sflag:s17] =	ssyncset.done $0x0  }
0x27: {  	[sflag:s17] =	ssyncadd.s32 $0xFFFFC000  }
0x28: {  	[spmem:s12] =	stream.linear.scatter [tilespmem:s16], [sflag:$0x2], $0x4000, $0x38;
	[tilespmem:$0x18100] =	vst v63  }
0x29: {  	_ =	swait.ge [sflag:s17], $0x4000  }
0x2a: {  	[sflag:s17] =	ssyncset.done $0x0  }
0x2b: {  	p1 =	sne.s32 s14, $0x1;
	[sflag:s17] =	ssyncadd.s32 $0xFFFFC000  }
0x2c: {  	[spmem:s13] =	stream.linear.scatter [tilespmem:s16], [sflag:$0x2], $0x4000, $0x38;
	[tilespmem:$0x18100] =	vst v63  }
.Ltmp1:
0x2d: {  	_ =	swait.ge [sflag:s17], $0x4000;
	(pc) =	sbr.rel @!p1 .LBB2_6-.Ltmp1, $4  }
0x2e: {  	[sflag:s17] =	ssyncset.done $0x0  }
0x2f: {  	[sflag:s17] =	ssyncadd.s32 $0xFFFFC000  }
0x30: {  	[bflag:$0x0] =	sbarrier.arrive $0xFFFF  }
0x31: {  	s23 =	sadd.s32 $0xFFFFFFFF, s14;
	s25 =	sshrl.u32 s15, $0x3;
	p0 =	por $0x0, $0x0  }
0x32: {  	s24 =	sadd.s32 s5, s25  }
0x33: {  	[tilespmem:s18], [sflag:$0x2] =	stream.linear.gather [hbm4b:s24+s3], $0x80, $0x38;
	[tilespmem:$0x18100] =	vst v63  }
0x34: {  	_ =	swait.ge [sflag:s17], $0x80  }
0x35: {  	[sflag:s17] =	ssyncset.done $0x0  }
0x36: {  	s31 =	sadd.s32 s6, s25;
	[sflag:s17] =	ssyncadd.s32 $0xFFFFFF80  }
0x37: {  	[tilespmem:s19], [sflag:$0x2] =	stream.linear.gather [hbm4b:s31+s3], $0x80, $0x38;
	[tilespmem:$0x18100] =	vst v63  }
0x38: {  	_ =	swait.ge [sflag:s17], $0x80  }
0x39: {  	[sflag:s17] =	ssyncset.done $0x0  }
0x3a: {  	[sflag:s17] =	ssyncadd.s32 $0xFFFFFF80  }
0x3b: {  	[tilespmem:s16], [sflag:$0x1] =	stream.indirect.gather [hbm4b:s4+s20], $0x80, s18, s20, $0xb8;
	[tilespmem:$0x18100] =	vst v63  }
0x3c: {  	p1 =	sne.s32 s23, $0x1;
	_ =	swait.ge [sflag:s21], $0x4000  }
.Ltmp2:
0x3d: {  	[sflag:s21] =	ssyncset.done $0x0;
	(pc) =	sbr.rel @!p1 .LBB2_6-.Ltmp2, $4  }
0x3e: {  	[sflag:s21] =	ssyncadd.s32 $0xFFFFC000  }
0x3f: {  	[spmem:s1] =	stream.indirect.scatter.add.f32 [tilespmem:s16], [sflag:$0x2], $0x80, s19, s20, $0xb8;
	[tilespmem:$0x18100] =	vst v63  }
0x40: {  	s23 =	sadd.s32 $0xFFFFFFFF, s23;
	s24 =	sadd.s32 $0x1000, s15;
	_ =	swait.ge [sflag:s17], $0x4000  }
0x41: {  	p0 =	por $0x1, $0x1;
	s25 =	sshrl.u32 s24, $0x3;
	[sflag:s17] =	ssyncset.done $0x0  }
.LBB2_5:
0x42: {  	p1 =	sne.s32 s23, $0x1;
	s26 =	sadd.s32 s5, s25;
	[sflag:s17] =	ssyncadd.s32 $0xFFFFC000  }
0x43: {  	[tilespmem:s18], [sflag:$0x2] =	stream.linear.gather [hbm4b:s26+s3], $0x80, $0x38;
	[tilespmem:$0x18100] =	vst v63  }
0x44: {  	s23 =	sadd.s32 $0xFFFFFFFF, s23;
	_ =	swait.ge [sflag:s17], $0x80  }
0x45: {  	[sflag:s17] =	ssyncset.done $0x0  }
0x46: {  	s25 =	sadd.s32 s6, s25;
	[sflag:s17] =	ssyncadd.s32 $0xFFFFFF80  }
0x47: {  	[tilespmem:s19], [sflag:$0x2] =	stream.linear.gather [hbm4b:s25+s3], $0x80, $0x38;
	[tilespmem:$0x18100] =	vst v63  }
0x48: {  	_ =	swait.ge [sflag:s17], $0x80  }
0x49: {  	[sflag:s17] =	ssyncset.done $0x0  }
0x4a: {  	[sflag:s17] =	ssyncadd.s32 $0xFFFFFF80  }
0x4b: {  	[tilespmem:s16], [sflag:$0x1] =	stream.indirect.gather [hbm4b:s4+s20], $0x80, s18, s20, $0xb8;
	[tilespmem:$0x18100] =	vst v63  }
0x4c: {  	_ =	swait.ge [sflag:s21], $0x4000  }
.Ltmp3:
0x4d: {  	[sflag:s21] =	ssyncset.done $0x0;
	(pc) =	sbr.rel @p1 .LBB2_5-.Ltmp3, $4  }
0x4e: {  	[sflag:s21] =	ssyncadd.s32 $0xFFFFC000  }
0x4f: {  	[spmem:s1] =	stream.indirect.scatter.add.f32 [tilespmem:s16], [sflag:$0x2], $0x80, s19, s20, $0xb8;
	[tilespmem:$0x18100] =	vst v63  }
0x50: {  	s24 =	sadd.s32 $0x1000, s24;
	_ =	swait.ge [sflag:s17], $0x4000  }
0x51: {  	s25 =	sshrl.u32 s24, $0x3;
	[sflag:s17] =	ssyncset.done $0x0  }
.LBB2_6:
0x52: {  	s23 =	sadd.s32 s5, s25;
	[sflag:s17] =	ssyncadd.s32 @p0 $0xFFFFC000  }
0x53: {  	[tilespmem:s18], [sflag:$0x2] =	stream.linear.gather [hbm4b:s23+s3], $0x80, $0x38;
	[tilespmem:$0x18100] =	vst v63  }
0x54: {  	_ =	swait.ge [sflag:s17], $0x80  }
0x55: {  	[sflag:s17] =	ssyncset.done $0x0  }
0x56: {  	s30 =	sadd.s32 s6, s25;
	[sflag:s17] =	ssyncadd.s32 $0xFFFFFF80  }
0x57: {  	[tilespmem:s19], [sflag:$0x2] =	stream.linear.gather [hbm4b:s30+s3], $0x80, $0x38;
	[tilespmem:$0x18100] =	vst v63  }
0x58: {  	_ =	swait.ge [sflag:s17], $0x80  }
0x59: {  	[sflag:s17] =	ssyncset.done $0x0  }
0x5a: {  	[sflag:s17] =	ssyncadd.s32 $0xFFFFFF80  }
0x5b: {  	[tilespmem:s16], [sflag:$0x1] =	stream.indirect.gather [hbm4b:s4+s20], $0x80, s18, s20, $0xb8;
	[tilespmem:$0x18100] =	vst v63  }
0x5c: {  	_ =	swait.ge [sflag:s21], $0x4000  }
0x5d: {  	[sflag:s21] =	ssyncset.done $0x0  }
0x5e: {  	[sflag:s21] =	ssyncadd.s32 $0xFFFFC000  }
0x5f: {  	[spmem:s1] =	stream.indirect.scatter.add.f32 [tilespmem:s16], [sflag:$0x2], $0x80, s19, s20, $0xb8;
	[tilespmem:$0x18100] =	vst v63  }
0x60: {  	_ =	swait.ge [sflag:s17], $0x4000  }
0x61: {  	s31 =	sshll.u32 s2, $0x6;
	s22 =	sadd.s32 $0x1, s22;
	[sflag:s17] =	ssyncset.done $0x0  }
0x62: {  	s24 =	sshrl.u32 s7, $0x3;
	p0 =	sne.s32 s22, s9;
	[sflag:s17] =	ssyncadd.s32 $0xFFFFC000  }
.Ltmp4:
0x63: {  	s23 =	sor.u32 $0x1C02, s31;
	[bflag:$0x0] =	sbarrier.arrive $0xFFFF;
	(pc) =	sbr.rel @p0 .LBB2_1-.Ltmp4, $4  }
0x64: {  	[hbm:s8], [sflag:s23] =	dma.local [spmem:s24], $0x2800  }
0x65: {  	_ =	swait.ge [sflag:s17], $0x2800  }
0x66: {  	[sflag:s17] =	ssyncset.done $0x0  }
0x67: {  	[sflag:s17] =	ssyncadd.s32 $0xFFFFD800  }
0x68: {  	_ =	sfence.sel $0x180000  }
0x69: {  	[bflag:$0x0] =	sbarrier.arrive $0xFFFF  }
0x6a: {  	p0 =	sne.s32 s2, $0x0;
	_ =	strace $0x9000004D  }
0x6b: {  	s0 =	sadd.s32 @!p0 $0x100000, s0;
	[bflag:$0x2] =	sbarrier.arrive $0xFFFF  }
0x6c: {  	[sflag:s0] =	ssyncadd.tile.s32 @!p0 $0x1;
	_ =	shalt  }
.Lfunc_end2:
_tile_overlayer_lowered:
.L_overlay_start_2:
0x6d: {  	(tag) =	ssettag $0x2  }
0x6e: {  	s0 =	rddreg [dreg:$0x0];
	s2 =	stileid.u32  }
0x6f: {  	s1 =	rddreg [dreg:$0x1];
	p0 =	sne.s32 s2, $0x0  }
0x70: {  	s3 =	rddreg [dreg:$0x2];
	[bflag:$0x3] =	sbarrier.arrive $0xFFFF;
	s2 =	simm.s32 @!p0 $0x1C02  }
0x71: {  	[timem:s3], [sflag:s2] =	dma.local @!p0 [hbm:s0], s1  }
0x72: {  	s0 =	simm.s32 @!p0 $0x2  }
0x73: {  	_ =	swait.ge @!p0 [sflag:s0], s1  }
0x74: {  	s1 =	ssub.s32 @!p0 $0x0, s1;
	[sflag:s0] =	ssyncset.done @!p0 $0x0  }
0x75: {  	[sflag:s0] =	ssyncadd.s32 @!p0 s1  }
0x76: {  	[bflag:$0x3] =	sbarrier.arrive $0xFFFF  }
0x77: {  	_ =	shalt  }

// kernel: kernel.8.cloned.1.call-start
scs
__scs_entry_jumppad:
0x0: {  	(pc) =	sbr.rel $0x88, $3  }
0x1: {  	(tag) =	ssettag $0x0;
	lr =	simm.s32 $0x1  }
0x2: {  	[smem:$0x3F98] =	sst lr;
	_ =	strace $0xD0000000  }
0x3: {  	_ = 	snop  }
0x4: {  	_ = 	snop  }
0x5: {  	_ = 	snop  }
0x6: {  	_ = 	snop  }
0x7: {  	_ = 	snop  }
__scs_overlays_trampoline_lowered:
0x8: {  	[smem:$0x3FA7] =	sst s0  }
0x9: {  	[smem:$0x3FA8] =	sst s1  }
0xa: {  	[smem:$0x3FA9] =	sst s2  }
0xb: {  	[smem:$0x3FAA] =	sst s3  }
0xc: {  	[smem:$0x3FAB] =	sst s4  }
0xd: {  	[smem:$0x3FAC] =	sst s5  }
0xe: {  	[smem:$0x3FAD] =	sst s6  }
0xf: {  	[smem:$0x3FAE] =	sst s7  }
0x10: {  	[smem:$0x3FAF] =	sst s8  }
0x11: {  	[smem:$0x3FB0] =	sst s9;
	s0 =	simm.s32 @!p0 $0x0  }
0x12: {  	s1 =	sld [smem:$0x3F96];
	s0 =	simm.s32 @p0 $0x1  }
0x13: {  	[smem:$0x3FB1] =	sst s0;
	s0 =	simm.s32 @!p1 $0x0  }
0x14: {  	s2 =	sld [smem:$0x3F95];
	s0 =	simm.s32 @p1 $0x1  }
0x15: {  	[smem:$0x3FB2] =	sst s0;
	s0 =	simm.s32 @!p2 $0x0  }
0x16: {  	s3 =	sld [smem:$0x3FDB];
	s0 =	simm.s32 @p2 $0x1  }
0x17: {  	s4 =	simm.s32 $0x1BF5;
	[smem:$0x3FB4] =	sst s0  }
0x18: {  	s0 =	sld [smem:$0x3F97];
	_ =	swait.ge [sflag:s4], $0x0  }
0x19: {  	s7 =	sld [smem:$0x3F98]  }
0x1a: {  	s8 =	sadd.s32 $0xFFFFE003, lr  }
0x1b: {  	s9 =	sadd.s32 $0xFFFFFEF7, lr;
	s5 =	simm.s32 $0xFFFFFFFF;
	p2 =	slt.u32 s8, $0xFFFFF086  }
0x1c: {  	p1 =	slt.u32 s9, $0xF7A;
	s5 =	simm.s32 @!p2 $0x0  }
0x1d: {  	s5 =	simm.s32 @p1 $0x1;
	p0 =	seq.s32 s7, s2  }
0x1e: {  	s7 =	smul.u32 @!p0 $0xF7A, s2;
	p2 =	seq.s32 @!p0 s5, $0x0  }
0x1f: {  	s9 =	smul.u32 $0xF7A, s1;
	s8 =	simm.s32 @!p0 $0x1BF5;
	p2 =	por !p2, p0  }
0x20: {  	[sflag:s8] =	ssyncset.s32 @!p0 $0xFFFFF086;
	s6 =	sadd.s32 @!p0 s3, s7;
	s7 =	simm.s32 @!p0 $0x108  }
0x21: {  	s3 =	sadd.s32 s3, s9;
	s6 =	sadd.s32 @!p0 $0x88, s6;
	s7 =	simm.s32 @p2 $0x1082  }
0x22: {  	[simem:s7], [sflag:s8] =	dma.local @!p0 [hbm:s6], $0xF7A  }
0x23: {  	s9 =	sor.u32 $0xD0000000, s2;
	s6 =	simm.s32 $0x108;
	_ =	swait.ge @!p0 [sflag:s8], $0x0  }
0x24: {  	s3 =	sadd.s32 $0x88, s3;
	s6 =	simm.s32 @!p1 $0x1082;
	[sflag:s4] =	ssyncset.s32 $0xFFFFF086  }
0x25: {  	[simem:s6], [sflag:s4] =	dma.local [hbm:s3], $0xF7A  }
0x26: {  	[smem:$0x3F98] =	sst s1;
	(tag) =	ssettag s2;
	_ =	strace s9  }
0x27: {  	s1 =	sld [smem:$0x3FA8]  }
0x28: {  	s2 =	sld [smem:$0x3FA9]  }
0x29: {  	s4 =	sld [smem:$0x3FAB]  }
0x2a: {  	p0 =	seq.s32 s5, $0x0;
	s5 =	sld [smem:$0x3FAC]  }
0x2b: {  	s6 =	sld [smem:$0x3FAD]  }
0x2c: {  	s7 =	sld [smem:$0x3FAE]  }
0x2d: {  	s3 =	simm.s32 $0x108;
	s8 =	sld [smem:$0x3FAF]  }
0x2e: {  	s3 =	simm.s32 @!p0 $0x1082;
	s9 =	sld [smem:$0x3FB0]  }
0x2f: {  	lr =	sadd.s32 s0, s3;
	s0 =	sld [smem:$0x3FA7]  }
0x30: {  	s3 =	sld [smem:$0x3FAA]  }
0x31: {  	[smem:$0x3FB3] =	sst s10  }
0x32: {  	s10 =	sld [smem:$0x3FB1];
	_ =	sdelay $0x3  }
0x33: {  	p0 =	seq.s32 s10, $0x1;
	s10 =	sld [smem:$0x3FB3];
	_ =	sdelay $0x3  }
0x34: {  	[smem:$0x3FB3] =	sst s10  }
0x35: {  	s10 =	sld [smem:$0x3FB2];
	_ =	sdelay $0x3  }
0x36: {  	p1 =	seq.s32 s10, $0x1;
	s10 =	sld [smem:$0x3FB3];
	_ =	sdelay $0x3  }
0x37: {  	[smem:$0x3FB3] =	sst s10  }
0x38: {  	s10 =	sld [smem:$0x3FB4]  }
0x39: {  	_ = 	snop;
	(pc) =	sbr.ind lr, $3  }
0x3a: {  	_ = 	snop  }
0x3b: {  	_ = 	snop  }
0x3c: {  	p2 =	seq.s32 s10, $0x1;
	s10 =	sld [smem:$0x3FB3]  }
0x3d: {  	_ =	shalt  }
0x3e: {  	_ =	shalt  }
0x3f: {  	_ =	shalt  }
0x40: {  	_ =	shalt  }
0x41: {  	_ =	shalt  }
0x42: {  	_ =	shalt  }
0x43: {  	_ =	shalt  }
0x44: {  	_ =	shalt  }
0x45: {  	_ =	shalt  }
0x46: {  	_ =	shalt  }
0x47: {  	_ =	shalt  }
0x48: {  	_ =	shalt  }
0x49: {  	_ =	shalt  }
0x4a: {  	_ =	shalt  }
0x4b: {  	_ =	shalt  }
0x4c: {  	_ =	shalt  }
0x4d: {  	_ =	shalt  }
0x4e: {  	_ =	shalt  }
0x4f: {  	_ =	shalt  }
0x50: {  	_ =	shalt  }
0x51: {  	_ =	shalt  }
0x52: {  	_ =	shalt  }
0x53: {  	_ =	shalt  }
0x54: {  	_ =	shalt  }
0x55: {  	_ =	shalt  }
0x56: {  	_ =	shalt  }
0x57: {  	_ =	shalt  }
0x58: {  	_ =	shalt  }
0x59: {  	_ =	shalt  }
0x5a: {  	_ =	shalt  }
0x5b: {  	_ =	shalt  }
0x5c: {  	_ =	shalt  }
0x5d: {  	_ =	shalt  }
0x5e: {  	_ =	shalt  }
0x5f: {  	_ =	shalt  }
0x60: {  	_ =	shalt  }
0x61: {  	_ =	shalt  }
0x62: {  	_ =	shalt  }
0x63: {  	_ =	shalt  }
0x64: {  	_ =	shalt  }
0x65: {  	_ =	shalt  }
0x66: {  	_ =	shalt  }
0x67: {  	_ =	shalt  }
0x68: {  	_ =	shalt  }
0x69: {  	_ =	shalt  }
0x6a: {  	_ =	shalt  }
0x6b: {  	_ =	shalt  }
0x6c: {  	_ =	shalt  }
0x6d: {  	_ =	shalt  }
0x6e: {  	_ =	shalt  }
0x6f: {  	_ =	shalt  }
0x70: {  	_ =	shalt  }
0x71: {  	_ =	shalt  }
0x72: {  	_ =	shalt  }
0x73: {  	_ =	shalt  }
0x74: {  	_ =	shalt  }
0x75: {  	_ =	shalt  }
0x76: {  	_ =	shalt  }
0x77: {  	_ =	shalt  }
0x78: {  	_ =	shalt  }
0x79: {  	_ =	shalt  }
0x7a: {  	_ =	shalt  }
0x7b: {  	_ =	shalt  }
0x7c: {  	_ =	shalt  }
0x7d: {  	_ =	shalt  }
0x7e: {  	_ =	shalt  }
0x7f: {  	_ =	shalt  }
0x80: {  	_ =	shalt  }
0x81: {  	_ =	shalt  }
0x82: {  	_ =	shalt  }
0x83: {  	_ =	shalt  }
0x84: {  	_ =	shalt  }
0x85: {  	_ =	shalt  }
0x86: {  	_ =	shalt  }
0x87: {  	_ =	shalt  }
.Lfunc_end0:
.L_simem_size_0:
called_computation_lowered:
.L_overlay_start_0:
0x88: {  	s2 =	sld [smem:$0x3FD9]  }
0x89: {  	s3 =	sld [smem:$0x3FFE];
	_ =	sdelay $0x1  }
0x8a: {  	s1 =	srdreg.scid  }
0x8b: {  	s0 =	sand.u32 $0x1, s1  }
0x8c: {  	s16 =	sshll.u32 s0, $0xA;
	s2 =	sadd.s32 s3, s2  }
0x8d: {  	s2 =	sadd.s32 s2, s16  }
0x8e: {  	[smem:$0x3FBF] =	sst s2  }
0x8f: {  	_ = 	snop  }
0x90: {  	(tm) =	ssettm $0x1  }
0x91: {  	s17 =	sld [smem:$0x3FFB];
	_ =	sdelay $0x3  }
0x92: {  	_ =	strace s17  }
0x93: {  	s2 =	sld [smem:$0x3FFC];
	_ =	sdelay $0x3  }
0x94: {  	_ =	strace s2  }
0x95: {  	s2 =	sld [smem:$0x3FFD];
	_ =	sdelay $0x3  }
0x96: {  	_ =	strace s2  }
0x97: {  	_ =	strace $0x8FFFFFFF  }
0x98: {  	s18 =	sld [smem:$0x3FDB];
	_ =	sdelay $0x1  }
0x99: {  	s19 =	simm.s32 $_scs_section_size  }
0x9a: {  	s4 =	simm.s32 $_size__tile_overlayer_lowered;
	s5 =	simm.s32 $_tile_overlayer_lowered  }
0x9b: {  	s22 =	simm.s32 $0x1BFF;
	s21 =	sshll.u32 s5, $0x1;
	s2 =	sadd.s32 s19, s18  }
0x9c: {  	s6 =	simm.s32 $0x0;
	s20 =	sshll.u32 s4, $0x1;
	s4 =	sadd.s32 s21, s2  }
0x9d: {  	[timem:s6], [sflag:s22] =	dma.local [hbm:s4], s20  }
0x9e: {  	_ =	swait.ge [sflag:s22], s20  }
0x9f: {  	s3 =	ssub.s32 $0x0, s20;
	[sflag:s22] =	ssyncset.done $0x0  }
0xa0: {  	[sflag:s22] =	ssyncadd.s32 s3;
	_ =	sdelay $0x1  }
0xa1: {  	s23 =	simm.s32 $0x1B8B  }
0xa2: {  	_ =	swait.ge [sflag:s23], $0x1  }
0xa3: {  	[sflag:s23] =	ssyncset.done $0x0  }
0xa4: {  	s25 =	simm.s32 $0x1B8E;
	s24 =	sld [smem:$0x3FFE];
	[sflag:s23] =	ssyncadd.s32 $0xFFFFFFFF  }
0xa5: {  	s26 =	simm.s32 $execute0_lowered;
	[smem:$0x3FD2] =	sst s25  }
0xa6: {  	s4 =	sshll.u32 s26, $0x1;
	_ =	strace $0x80000046;
	[dreg:$0x1] =	wrdreg $0xFFFFFFFF  }
0xa7: {  	s28 =	simm.s32 $_size_execute0_lowered;
	s2 =	sadd.s32 s2, s4;
	[dreg:$0x0] =	wrdreg $0x0  }
0xa8: {  	s4 =	sshll.u32 s28, $0x1;
	[dreg:$0x2] =	wrdreg s2  }
0xa9: {  	[dreg:$0x3] =	wrdreg s4  }
0xaa: {  	[dreg:$0x4] =	wrdreg $0xC0  }
0xab: {  	_ =	task [dreg:s6], $0x5FFFF  }
0xac: {  	[dreg:$0x1] =	wrdreg $0xFFFFFFFF  }
0xad: {  	[dreg:$0x0] =	wrdreg $0x60  }
0xae: {  	[dreg:$0x2] =	wrdreg s24  }
0xaf: {  	[dreg:$0x3] =	wrdreg $0x0  }
0xb0: {  	[dreg:$0x4] =	wrdreg $0x9  }
0xb1: {  	_ =	task.clear_ibuf [dreg:s6], $0x5FFFF;
	_ =	strace $0x90000046  }
0xb2: {  	s29 =	simm.s32 $0x9;
	_ =	strace $0x80000048  }
0xb3: {  	_ =	swait.ge [sflag:s29], $0x1  }
0xb4: {  	[sflag:s29] =	ssyncadd.s32 $0xFFFFFFFF  }
0xb5: {  	_ =	strace $0x90000048  }
0xb6: {  	_ =	sfence  }
0xb7: {  	s30 =	sld [smem:$0x0];
	_ =	sdelay $0x2  }
0xb8: {  	s31 =	sshll.u32 s1, $0xD;
	s1 =	sshrl.u32 s1, $0x2  }
0xb9: {  	s3 =	sand.u32 $0x4000, s31;
	s1 =	sadd.s32 s1, s30  }
0xba: {  	s0 =	sor.u32 s3, s0;
	s1 =	sshll.u32 s1, $0x11  }
0xbb: {  	s0 =	sor.u32 s1, s0  }
0xbc: {  	s0 =	sadd.s32 $0x8F2B, s0  }
0xbd: {  	[sflag:s0] =	ssyncadd.remote.s32 $0x1  }
0xbe: {  	_ =	sfence.sel $0xFFFF  }
0xbf: {  	[dreg:$0x0] =	wrdreg $0xFFFFFFFF;
	(pc) =	sbr.abs _section_cstart, $3  }
0xc0: {  	[dreg:$0x1] =	wrdreg $0xFFFFFFFF  }
0xc1: {  	_ =	task.clear_ibuf [dreg:s6], $0x2FFFF;
	_ =	strace $0x9FFFFFFF  }
0xc2: {  	(tm) =	ssettm $0x7FFFFFFF  }
0xc3: {  	_ =	shalt  }
tec
execute0_lowered:
.L_overlay_start_1:
0x0: {  	(tag) =	ssettag $0x1  }
0x1: {  	s5 =	rddreg [dreg:$0x0]  }
0x2: {  	s2 =	rddreg [dreg:$0x1]  }
0x3: {  	s0 =	rddreg [dreg:$0x2];
	s4 =	srdreg.scid  }
0x4: {  	s1 =	stileid.u32;
	s3 =	simm.s32 $0x0;
	s12 =	simm.s32 $0x280  }
0x5: {  	s13 =	simm.s32 $0x80;
	s14 =	simm.s32 $0x300;
	s17 =	simm.s32 $0x20  }
0x6: {  	s18 =	simm.s32 $0x10;
	s19 =	simm.s32 $0x0;
	s6 =	sand.u32 $0x1, s4  }
0x7: {  	s7 =	smul.u32 $0x500, s1;
	[smem:$0x7FF] =	sst s3;
	s4 =	sadd.s32 $0xCE00, s5  }
0x8: {  	s10 =	smul.u32 $0xA00, s1;
	s11 =	sshll.u32 s1, $0x1;
	s31 =	sshll.u32 s1, $0x8  }
0x9: {  	s15 =	sshll.u32 s1, $0x6;
	s9 =	sshll.u32 s6, $0x7;
	_ =	strace $0x80000047  }
0xa: {  	s8 =	ssub.s32 $0x2, s6;
	s6 =	sor.u32 s11, s6;
	s15 =	sor.u32 $0x1C01, s15  }
0xb: {  	s7 =	sor.u32 s9, s7;
	s29 =	sshrl.u32 s8, $0x1;
	s30 =	sshrl.u32 s10, $0x2  }
0xc: {  	s11 =	ssub.s32 $0x9E3, s6;
	s9 =	sor.u32 s9, s31;
	s7 =	sshrl.u32 s7, $0x3  }
0xd: {  	s10 =	simm.s32 $0x380;
	s8 =	ssub.s32 s8, s29;
	s7 =	sadd.s32 s7, s5  }
0xe: {  	s5 =	sadd.s32 s30, s2;
	s6 =	sadd.s32 $0x16C00, s7;
	s7 =	smax.u32 s8, $0x1  }
0xf: {  	v0 =	vimm.f32 $1.000000000e+00;
	v1 =	vimm.f32 $0.0e+00;
	s8 =	sshrl.u32 s11, $0x5;
	s11 =	simm.s32 $0x1;
	s16 =	sshrl.u32 s5, $0x3  }
.LBB2_1:
0x10: {  	[tilespmem:$0x300] =	vst v0  }
0x11: {  	[tilespmem:$0x310] =	vst v0  }
0x12: {  	[tilespmem:$0x320] =	vst v0  }
0x13: {  	[tilespmem:$0x330] =	vst v0  }
0x14: {  	[tilespmem:$0x340] =	vst v0  }
0x15: {  	[tilespmem:$0x350] =	vst v0  }
0x16: {  	[tilespmem:$0x360] =	vst v0  }
0x17: {  	[tilespmem:$0x370] =	vst v0  }
0x18: {  	[tilespmem:$0x380] =	vst v1  }
0x19: {  	[tilespmem:$0x390] =	vst v1  }
0x1a: {  	[tilespmem:$0x3A0] =	vst v1  }
0x1b: {  	[tilespmem:$0x3B0] =	vst v1  }
0x1c: {  	[tilespmem:$0x3C0] =	vst v1  }
0x1d: {  	[tilespmem:$0x3D0] =	vst v1  }
0x1e: {  	[tilespmem:$0x3E0] =	vst v1  }
0x1f: {  	[tilespmem:$0x3F0] =	vst v1  }
0x20: {  	[tilespmem:$0x400] =	vst v1  }
0x21: {  	[tilespmem:$0x410] =	vst v1  }
0x22: {  	[tilespmem:$0x420] =	vst v1  }
0x23: {  	[tilespmem:$0x430] =	vst v1  }
0x24: {  	[tilespmem:$0x440] =	vst v1  }
0x25: {  	[tilespmem:$0x450] =	vst v1  }
0x26: {  	[tilespmem:$0x460] =	vst v1  }
0x27: {  	[tilespmem:$0x470] =	vst v1  }
0x28: {  	[tilespmem:$0x480] =	vst v1  }
0x29: {  	[tilespmem:$0x490] =	vst v1  }
0x2a: {  	[tilespmem:$0x4A0] =	vst v1  }
0x2b: {  	[tilespmem:$0x4B0] =	vst v1  }
0x2c: {  	[tilespmem:$0x4C0] =	vst v1  }
0x2d: {  	[tilespmem:$0x4D0] =	vst v1  }
0x2e: {  	[tilespmem:$0x4E0] =	vst v1  }
0x2f: {  	[tilespmem:$0x4F0] =	vst v1  }
0x30: {  	[tilespmem:$0x500] =	vst v1  }
0x31: {  	[tilespmem:$0x510] =	vst v1  }
0x32: {  	[tilespmem:$0x520] =	vst v1  }
0x33: {  	[tilespmem:$0x530] =	vst v1  }
0x34: {  	[tilespmem:$0x540] =	vst v1  }
0x35: {  	[tilespmem:$0x550] =	vst v1  }
0x36: {  	[tilespmem:$0x560] =	vst v1  }
0x37: {  	[tilespmem:$0x570] =	vst v1  }
0x38: {  	[tilespmem:$0x580] =	vst v1  }
0x39: {  	[tilespmem:$0x590] =	vst v1  }
0x3a: {  	[tilespmem:$0x5A0] =	vst v1  }
0x3b: {  	[tilespmem:$0x5B0] =	vst v1  }
0x3c: {  	[tilespmem:$0x5C0] =	vst v1  }
0x3d: {  	[tilespmem:$0x5D0] =	vst v1  }
0x3e: {  	[tilespmem:$0x5E0] =	vst v1  }
0x3f: {  	[tilespmem:$0x5F0] =	vst v1;
	p1 =	sne.s32 s8, $0x1  }
0x40: {  	[spmem:s5] =	stream.linear.scatter [tilespmem:s10], [sflag:$0x1], $0x280, $0x38;
	[tilespmem:$0x600] =	vst v63  }
.Ltmp0:
0x41: {  	_ =	swait.ge [sflag:s11], $0x280;
	(pc) =	sbr.rel @!p1 .LBB2_4-.Ltmp0, $4  }
0x42: {  	[sflag:s11] =	ssyncset.done $0x0  }
0x43: {  	[sflag:s11] =	ssyncadd.s32 $0xFFFFFD80  }
0x44: {  	[bflag:$0x0] =	sbarrier.arrive $0xFFFF  }
0x45: {  	s20 =	sadd.s32 $0xFFFFFFFF, s8;
	s22 =	sshrl.u32 s9, $0x3;
	p0 =	por $0x0, $0x0  }
0x46: {  	s21 =	sadd.s32 s4, s22  }
0x47: {  	[tilespmem:s12], [sflag:$0x1] =	stream.linear.gather [hbm4b:s21+s3], $0x80, $0x38;
	[tilespmem:$0x600] =	vst v63  }
0x48: {  	p1 =	sne.s32 s20, $0x1;
	_ =	swait.ge [sflag:s11], $0x80  }
.Ltmp1:
0x49: {  	[sflag:s11] =	ssyncset.done $0x0;
	(pc) =	sbr.rel @!p1 .LBB2_4-.Ltmp1, $4  }
0x4a: {  	[sflag:s11] =	ssyncadd.s32 $0xFFFFFF80  }
0x4b: {  	[spmem:s2] =	stream.indirect.scatter.add.f32 [tilespmem:s14], [sflag:$0x1], $0x1, s12, s13, $0xb8;
	[tilespmem:$0x600] =	vst v63  }
0x4c: {  	s20 =	sadd.s32 $0xFFFFFFFF, s20;
	s21 =	sadd.s32 $0x1000, s9;
	_ =	swait.ge [sflag:s11], $0x80  }
0x4d: {  	p0 =	por $0x1, $0x1;
	s22 =	sshrl.u32 s21, $0x3;
	[sflag:s11] =	ssyncset.done $0x0  }
.LBB2_3:
0x4e: {  	p1 =	sne.s32 s20, $0x1;
	s22 =	sadd.s32 s4, s22;
	[sflag:s11] =	ssyncadd.s32 $0xFFFFFF80  }
0x4f: {  	[tilespmem:s12], [sflag:$0x1] =	stream.linear.gather [hbm4b:s22+s3], $0x80, $0x38;
	[tilespmem:$0x600] =	vst v63  }
0x50: {  	s20 =	sadd.s32 $0xFFFFFFFF, s20;
	_ =	swait.ge [sflag:s11], $0x80  }
.Ltmp2:
0x51: {  	[sflag:s11] =	ssyncset.done $0x0;
	(pc) =	sbr.rel @p1 .LBB2_3-.Ltmp2, $4  }
0x52: {  	[sflag:s11] =	ssyncadd.s32 $0xFFFFFF80  }
0x53: {  	[spmem:s2] =	stream.indirect.scatter.add.f32 [tilespmem:s14], [sflag:$0x1], $0x1, s12, s13, $0xb8;
	[tilespmem:$0x600] =	vst v63  }
0x54: {  	s21 =	sadd.s32 $0x1000, s21;
	_ =	swait.ge [sflag:s11], $0x80  }
0x55: {  	s22 =	sshrl.u32 s21, $0x3;
	[sflag:s11] =	ssyncset.done $0x0  }
.LBB2_4:
0x56: {  	s20 =	sadd.s32 s4, s22;
	[sflag:s11] =	ssyncadd.s32 @p0 $0xFFFFFF80  }
0x57: {  	[tilespmem:s12], [sflag:$0x1] =	stream.linear.gather [hbm4b:s20+s3], $0x80, $0x38;
	[tilespmem:$0x600] =	vst v63  }
0x58: {  	_ =	swait.ge [sflag:s11], $0x80  }
0x59: {  	[sflag:s11] =	ssyncset.done $0x0  }
0x5a: {  	[sflag:s11] =	ssyncadd.s32 $0xFFFFFF80  }
0x5b: {  	[spmem:s2] =	stream.indirect.scatter.add.f32 [tilespmem:s14], [sflag:$0x1], $0x1, s12, s13, $0xb8;
	[tilespmem:$0x600] =	vst v63  }
0x5c: {  	_ =	swait.ge [sflag:s11], $0x80  }
0x5d: {  	s19 =	sadd.s32 $0x1, s19;
	[sflag:s11] =	ssyncset.done $0x0  }
0x5e: {  	p0 =	sne.s32 s19, s7;
	[sflag:s11] =	ssyncadd.s32 $0xFFFFFF80  }
.Ltmp3:
0x5f: {  	[bflag:$0x0] =	sbarrier.arrive $0xFFFF;
	(pc) =	sbr.rel @p0 .LBB2_1-.Ltmp3, $4  }
0x60: {  	[hbm:s6@s17], [sflag:s15] =	dma.strided [spmem:s16@s18], $0x50, s11, $0x10   }
0x61: {  	_ =	swait.ge [sflag:s11], $0x50  }
0x62: {  	[sflag:s11] =	ssyncset.done $0x0  }
0x63: {  	[sflag:s11] =	ssyncadd.s32 $0xFFFFFFB0  }
0x64: {  	_ =	sfence.sel $0x180000  }
0x65: {  	[bflag:$0x0] =	sbarrier.arrive $0xFFFF  }
0x66: {  	p0 =	sne.s32 s1, $0x0;
	_ =	strace $0x90000047  }
0x67: {  	s0 =	sadd.s32 @!p0 $0x100000, s0;
	[bflag:$0x2] =	sbarrier.arrive $0xFFFF  }
0x68: {  	[sflag:s0] =	ssyncadd.tile.s32 @!p0 $0x1;
	_ =	shalt  }
.Lfunc_end2:
_tile_overlayer_lowered:
.L_overlay_start_2:
0x69: {  	(tag) =	ssettag $0x2  }
0x6a: {  	s0 =	rddreg [dreg:$0x0];
	s2 =	stileid.u32  }
0x6b: {  	s1 =	rddreg [dreg:$0x1];
	p0 =	sne.s32 s2, $0x0  }
0x6c: {  	s3 =	rddreg [dreg:$0x2];
	[bflag:$0x3] =	sbarrier.arrive $0xFFFF;
	s2 =	simm.s32 @!p0 $0x1C01  }
0x6d: {  	[timem:s3], [sflag:s2] =	dma.local @!p0 [hbm:s0], s1  }
0x6e: {  	s0 =	simm.s32 @!p0 $0x1  }
0x6f: {  	_ =	swait.ge @!p0 [sflag:s0], s1  }
0x70: {  	s1 =	ssub.s32 @!p0 $0x0, s1;
	[sflag:s0] =	ssyncset.done @!p0 $0x0  }
0x71: {  	[sflag:s0] =	ssyncadd.s32 @!p0 s1  }
0x72: {  	[bflag:$0x3] =	sbarrier.arrive $0xFFFF  }
0x73: {  	_ =	shalt  }

</sc_bundles>
